<compile_context>
chip_gen: v7x
topology: tpu7x:2x2x1
jax: 0.10.2.dev20260603
libtpu: 0.0.44.dev20260713+nightly
codegen_flags: <defaults>
</compile_context>

<pallas_src>
import functools

import jax
import jax.numpy as jnp
from jax import lax
from jax.experimental import pallas as pl
from jax.experimental.pallas import tpu as pltpu
from jax.experimental.pallas import tpu_sc as plsc

_B = 16384
_D = 32
_PD = 128
_NC = 2
_NS = 16
_NW = _NC * _NS
_BPW = _B // _NW
_CHUNK = 128
_NCHUNK = _BPW // _CHUNK

_TC_BLOCK = 2048


def _sc_gather_body(uidx_hbm, iidx_hbm, utab, itab,
                    u_out, i_out,
                    uidx_v, iidx_v, ubuf, ibuf, sem):
    wid = lax.axis_index("s") * _NC + lax.axis_index("c")
    base = wid * _BPW
    pltpu.sync_copy(uidx_hbm.at[pl.ds(wid * _NCHUNK, _NCHUNK)], uidx_v)
    pltpu.sync_copy(iidx_hbm.at[pl.ds(wid * _NCHUNK, _NCHUNK)], iidx_v)
    half = _NCHUNK // 2
    for p in range(2):
        copies = []
        for c in range(half):
            copies.append(pltpu.async_copy(
                utab.at[uidx_v.at[p * half + c]],
                ubuf.at[pl.ds(c * _CHUNK, _CHUNK)], sem))
            copies.append(pltpu.async_copy(
                itab.at[iidx_v.at[p * half + c]],
                ibuf.at[pl.ds(c * _CHUNK, _CHUNK)], sem))
        for cp in copies:
            cp.wait()
        pltpu.sync_copy(ubuf, u_out.at[pl.ds(base + p * half * _CHUNK,
                                             half * _CHUNK)])
        pltpu.sync_copy(ibuf, i_out.at[pl.ds(base + p * half * _CHUNK,
                                             half * _CHUNK)])


def _sc_gather(user_idx, item_idx, utab_pad, itab_pad):
    mesh = plsc.VectorSubcoreMesh(core_axis_name="c", subcore_axis_name="s")
    f = pl.kernel(
        _sc_gather_body,
        mesh=mesh,
        out_type=(
            jax.ShapeDtypeStruct((_B, _PD), jnp.float32),
            jax.ShapeDtypeStruct((_B, _PD), jnp.float32),
        ),
        scratch_types=[
            pltpu.VMEM((_NCHUNK, _CHUNK), jnp.int32),
            pltpu.VMEM((_NCHUNK, _CHUNK), jnp.int32),
            pltpu.VMEM((_BPW // 2, _PD), jnp.float32),
            pltpu.VMEM((_BPW // 2, _PD), jnp.float32),
            pltpu.SemaphoreType.DMA,
        ],
    )
    uidx2 = user_idx.reshape(_NW * _NCHUNK, _CHUNK)
    iidx2 = item_idx.reshape(_NW * _NCHUNK, _CHUNK)
    return f(uidx2, iidx2, utab_pad, itab_pad)


def _tc_body(u_ref, i_ref, dn_ref, Wd_ref, bd_ref,
             W1u_ref, W1i_ref, W1d_ref, b1_ref,
             W2_ref, b2_ref, W3_ref, b3_ref, out_ref):
    u = u_ref[:, :_D]
    it = i_ref[:, :_D]
    dn = dn_ref[...]
    d = jnp.dot(dn, Wd_ref[...], preferred_element_type=jnp.float32) + bd_ref[...]
    s = u + it + d
    fm = 0.5 * jnp.sum(s * s - u * u - it * it - d * d, axis=1, keepdims=True)
    h = (jnp.dot(u, W1u_ref[...], preferred_element_type=jnp.float32)
         + jnp.dot(it, W1i_ref[...], preferred_element_type=jnp.float32)
         + jnp.dot(dn, W1d_ref[...], preferred_element_type=jnp.float32)
         + b1_ref[...])
    h = jnp.maximum(h, 0.0)
    h = jnp.maximum(
        jnp.dot(h, W2_ref[...], preferred_element_type=jnp.float32) + b2_ref[...],
        0.0)
    out = jnp.dot(h, W3_ref[...], preferred_element_type=jnp.float32) + b3_ref[...]
    out_ref[...] = out + fm


def _tc_compute(u, i, dense, Wd, bd, W1, b1, W2, b2, W3, b3):
    nd = dense.shape[1]
    h1 = W1.shape[1]
    h2 = W2.shape[1]
    W1u = W1[:_D]
    W1i = W1[_D:2 * _D]
    W1d = W1[2 * _D:]
    grid = _B // _TC_BLOCK

    def batch_spec(cols):
        return pl.BlockSpec((_TC_BLOCK, cols), lambda b: (b, 0))

    def full_spec(shape):
        return pl.BlockSpec(shape, lambda b: (0,) * len(shape))

    out = pl.pallas_call(
        _tc_body,
        grid=(grid,),
        in_specs=[
            batch_spec(_PD), batch_spec(_PD), batch_spec(nd),
            full_spec(Wd.shape), full_spec((1, _D)),
            full_spec(W1u.shape), full_spec(W1i.shape), full_spec(W1d.shape),
            full_spec((1, h1)),
            full_spec(W2.shape), full_spec((1, h2)),
            full_spec(W3.shape), full_spec((1, 1)),
        ],
        out_specs=pl.BlockSpec((_TC_BLOCK, 1), lambda b: (b, 0)),
        out_shape=jax.ShapeDtypeStruct((_B, 1), jnp.float32),
    )(u, i, dense, Wd, bd.reshape(1, _D),
      W1u, W1i, W1d, b1.reshape(1, h1),
      W2, b2.reshape(1, h2), W3, b3.reshape(1, 1))
    return out[:, 0]


def kernel(user_idx, item_idx, dense, user_emb, item_emb,
           Wd, bd, W1, b1, W2, b2, W3, b3):
    utab_pad = jnp.pad(user_emb, ((0, 0), (0, _PD - _D)))
    itab_pad = jnp.pad(item_emb, ((0, 0), (0, _PD - _D)))
    u, i = _sc_gather(user_idx.astype(jnp.int32), item_idx.astype(jnp.int32),
                      utab_pad, itab_pad)
    return _tc_compute(u, i, dense, Wd, bd, W1, b1, W2, b2, W3, b3)

# --- scband reference (transcript-rebuilt; emitter-appended) ---
"""Pipeline reference for scband-deep-fm-54434415510216 (READ-ONLY COPY).

The authoritative reference and input builder live on the scoring server;
editing this copy changes nothing except your own understanding.
"""

import jax, jax.numpy as jnp
import numpy as np

NUM_USERS = 1000000
NUM_ITEMS = 1000000
NUM_DENSE = 13
EMB_DIM = 32
BATCH = 16384
HIDDEN = [256, 128]


def setup_inputs(seed: int = 0) -> dict:
    key = jax.random.key(seed)
    ks = jax.random.split(key, 12)
    user_idx = jax.random.randint(ks[0], (BATCH,), 0, NUM_USERS, dtype=jnp.int64 if jax.config.jax_enable_x64 else jnp.int32)
    item_idx = jax.random.randint(ks[1], (BATCH,), 0, NUM_ITEMS, dtype=jnp.int64 if jax.config.jax_enable_x64 else jnp.int32)
    dense = jax.random.normal(ks[2], (BATCH, NUM_DENSE), dtype=jnp.float32)
    # parameters
    user_emb = jax.random.normal(ks[3], (NUM_USERS, EMB_DIM), dtype=jnp.float32) * 0.01
    item_emb = jax.random.normal(ks[4], (NUM_ITEMS, EMB_DIM), dtype=jnp.float32) * 0.01
    Wd = jax.random.normal(ks[5], (NUM_DENSE, EMB_DIM), dtype=jnp.float32) * 0.1
    bd = jnp.zeros((EMB_DIM,), dtype=jnp.float32)
    dnn_in_dim = EMB_DIM * 2 + NUM_DENSE
    W1 = jax.random.normal(ks[6], (dnn_in_dim, HIDDEN[0]), dtype=jnp.float32) * 0.05
    b1 = jnp.zeros((HIDDEN[0],), dtype=jnp.float32)
    W2 = jax.random.normal(ks[7], (HIDDEN[0], HIDDEN[1]), dtype=jnp.float32) * 0.05
    b2 = jnp.zeros((HIDDEN[1],), dtype=jnp.float32)
    W3 = jax.random.normal(ks[8], (HIDDEN[1], 1), dtype=jnp.float32) * 0.05
    b3 = jnp.zeros((1,), dtype=jnp.float32)
    return {
        'user_idx': user_idx, 'item_idx': item_idx, 'dense': dense,
        'user_emb': user_emb, 'item_emb': item_emb,
        'Wd': Wd, 'bd': bd, 'W1': W1, 'b1': b1, 'W2': W2, 'b2': b2, 'W3': W3, 'b3': b3,
    }


def reference(user_idx, item_idx, dense, user_emb, item_emb, Wd, bd, W1, b1, W2, b2, W3, b3):
    # embedding lookups (gather)
    u = jnp.take(user_emb, user_idx, axis=0)          # [B, D]
    i = jnp.take(item_emb, item_idx, axis=0)          # [B, D]
    d = dense @ Wd + bd                               # [B, D]
    fields = jnp.stack([u, i, d], axis=1)             # [B, 3, D]
    sum_emb = fields.sum(axis=1)                      # [B, D]
    fm = 0.5 * (sum_emb ** 2 - (fields ** 2).sum(axis=1)).sum(axis=1, keepdims=True)  # [B, 1]
    dnn_in = jnp.concatenate([u, i, dense], axis=1)   # [B, 2D + num_dense]
    h = jax.nn.relu(dnn_in @ W1 + b1)                 # dropout is identity in eval
    h = jax.nn.relu(h @ W2 + b2)
    dnn_out = h @ W3 + b3                             # [B, 1]
    out = fm + dnn_out
    return out.squeeze(1)

if __name__ == "__main__":
    import jax
    _d = setup_inputs()
    print(jax.jit(kernel)(*tuple(_d.values())))

</pallas_src>

<mosaic_0001>
#map = affine_map<(d0, d1) -> (0, 0)>
module attributes {stable_mosaic.version = 14 : i64} {
  func.func @_sc_gather_body(%arg0: i32, %arg1: i32, %arg2: memref<128x128xi32, #tpu.memory_space<hbm>>, %arg3: memref<128x128xi32, #tpu.memory_space<hbm>>, %arg4: memref<1000000x128xf32, #tpu.memory_space<hbm>>, %arg5: memref<1000000x128xf32, #tpu.memory_space<hbm>>, %arg6: memref<16384x128xf32, #tpu.memory_space<hbm>>, %arg7: memref<16384x128xf32, #tpu.memory_space<hbm>>, %arg8: memref<4x128xi32, #tpu.memory_space<vmem>>, %arg9: memref<4x128xi32, #tpu.memory_space<vmem>>, %arg10: memref<256x128xf32, #tpu.memory_space<vmem>>, %arg11: memref<256x128xf32, #tpu.memory_space<vmem>>, %arg12: memref<!tpu.dma_semaphore, #tpu.memory_space<semaphore_mem>>) attributes {dimension_semantics = [#tpu.dimension_semantics<core_parallel>, #tpu.dimension_semantics<subcore_parallel>], iteration_bounds = array<i64: 2, 16>, scalar_prefetch = 0 : i64, scratch_operands = 5 : i64, tpu.core_type = #tpu.core_type<sc_vector_subcore>, window_params = [{transform_indices = #map}, {transform_indices = #map}, {transform_indices = #map}, {transform_indices = #map}, {transform_indices = #map}, {transform_indices = #map}]} {
    %mul3A = arith.constant 2 : i32
    %mul3A_0 = arith.muli %arg1, %mul3A : i32
    %add3A = arith.addi %mul3A_0, %arg0 : i32
    %mul3A_1 = arith.constant 512 : i32
    %mul3A_2 = arith.muli %add3A, %mul3A_1 : i32
    %mul3A_3 = arith.constant 4 : i32
    %mul3A_4 = arith.muli %add3A, %mul3A_3 : i32
    "tpu.region"() ({
      %run_scoped3A = tpu.sem_alloc : memref<!tpu.dma_semaphore, #tpu.memory_space<semaphore_mem>>
      %dma_start3A_173 = arith.constant 0 : i32
      %dma_start3A_174 = tpu.memref_slice %arg2[%mul3A_4, %dma_start3A_173] : memref<128x128xi32, #tpu.memory_space<hbm>> -> memref<4x128xi32, #tpu.memory_space<hbm>>
      %dma_start3A_175 = arith.constant 0 : i32
      %dma_start3A_176 = tpu.memref_slice %arg2[%mul3A_4, %dma_start3A_175] : memref<128x128xi32, #tpu.memory_space<hbm>> -> memref<4x128xi32, #tpu.memory_space<hbm>>
      tpu.enqueue_dma source(%dma_start3A_176 : memref<4x128xi32, #tpu.memory_space<hbm>>) target(%arg8 : memref<4x128xi32, #tpu.memory_space<vmem>>) target_semaphore(%run_scoped3A : memref<!tpu.dma_semaphore, #tpu.memory_space<semaphore_mem>>)
      %dma_wait3A_177 = arith.constant 0 : i32
      %dma_wait3A_178 = tpu.memref_slice %arg2[%mul3A_4, %dma_wait3A_177] : memref<128x128xi32, #tpu.memory_space<hbm>> -> memref<4x128xi32, #tpu.memory_space<hbm>>
      %dma_wait3A_179 = arith.constant 0 : i32
      %dma_wait3A_180 = tpu.memref_slice %arg2[%mul3A_4, %dma_wait3A_179] : memref<128x128xi32, #tpu.memory_space<hbm>> -> memref<4x128xi32, #tpu.memory_space<hbm>>
      tpu.wait_dma2 semaphore(%run_scoped3A : memref<!tpu.dma_semaphore, #tpu.memory_space<semaphore_mem>>) src(%dma_wait3A_180 : memref<4x128xi32, #tpu.memory_space<hbm>>) dst(%arg8 : memref<4x128xi32, #tpu.memory_space<vmem>>)
      tpu.yield
    }) : () -> ()
    %mul3A_5 = arith.constant 4 : i32
    %mul3A_6 = arith.muli %add3A, %mul3A_5 : i32
    "tpu.region"() ({
      %run_scoped3A = tpu.sem_alloc : memref<!tpu.dma_semaphore, #tpu.memory_space<semaphore_mem>>
      %dma_start3A_173 = arith.constant 0 : i32
      %dma_start3A_174 = tpu.memref_slice %arg3[%mul3A_6, %dma_start3A_173] : memref<128x128xi32, #tpu.memory_space<hbm>> -> memref<4x128xi32, #tpu.memory_space<hbm>>
      %dma_start3A_175 = arith.constant 0 : i32
      %dma_start3A_176 = tpu.memref_slice %arg3[%mul3A_6, %dma_start3A_175] : memref<128x128xi32, #tpu.memory_space<hbm>> -> memref<4x128xi32, #tpu.memory_space<hbm>>
      tpu.enqueue_dma source(%dma_start3A_176 : memref<4x128xi32, #tpu.memory_space<hbm>>) target(%arg9 : memref<4x128xi32, #tpu.memory_space<vmem>>) target_semaphore(%run_scoped3A : memref<!tpu.dma_semaphore, #tpu.memory_space<semaphore_mem>>)
      %dma_wait3A_177 = arith.constant 0 : i32
      %dma_wait3A_178 = tpu.memref_slice %arg3[%mul3A_6, %dma_wait3A_177] : memref<128x128xi32, #tpu.memory_space<hbm>> -> memref<4x128xi32, #tpu.memory_space<hbm>>
      %dma_wait3A_179 = arith.constant 0 : i32
      %dma_wait3A_180 = tpu.memref_slice %arg3[%mul3A_6, %dma_wait3A_179] : memref<128x128xi32, #tpu.memory_space<hbm>> -> memref<4x128xi32, #tpu.memory_space<hbm>>
      tpu.wait_dma2 semaphore(%run_scoped3A : memref<!tpu.dma_semaphore, #tpu.memory_space<semaphore_mem>>) src(%dma_wait3A_180 : memref<4x128xi32, #tpu.memory_space<hbm>>) dst(%arg9 : memref<4x128xi32, #tpu.memory_space<vmem>>)
      tpu.yield
    }) : () -> ()
    %dma_start3A = arith.constant 0 : i32
    %dma_start3A_7 = arith.constant 0 : i32
    %dma_start3A_8 = arith.constant 0 : i32
    %dma_start3A_9 = tpu.memref_slice %arg10[%dma_start3A_7, %dma_start3A_8] : memref<256x128xf32, #tpu.memory_space<vmem>> -> memref<128x128xf32, #tpu.memory_space<vmem>>
    %dma_start3A_10 = arith.constant 0 : i32
    %dma_start3A_11 = tpu.memref_slice %arg8[%dma_start3A, %dma_start3A_10] : memref<4x128xi32, #tpu.memory_space<vmem>> -> memref<1x128xi32, #tpu.memory_space<vmem>>
    %dma_start3A_12 = tpu.memref_squeeze %dma_start3A_11 : memref<1x128xi32, #tpu.memory_space<vmem>> -> memref<128xi32, #tpu.memory_space<vmem>>
    %dma_start3A_13 = arith.constant 0 : i32
    %dma_start3A_14 = arith.constant 0 : i32
    %dma_start3A_15 = tpu.memref_slice %arg4[%dma_start3A_13, %dma_start3A_14] : memref<1000000x128xf32, #tpu.memory_space<hbm>> -> memref<1000000x128xf32, #tpu.memory_space<hbm>>
    tpu.enqueue_indirect_dma source(%dma_start3A_15 : memref<1000000x128xf32, #tpu.memory_space<hbm>>) target(%dma_start3A_9 : memref<128x128xf32, #tpu.memory_space<vmem>>) offsets(%dma_start3A_12 : memref<128xi32, #tpu.memory_space<vmem>>) semaphore(%arg12 : memref<!tpu.dma_semaphore, #tpu.memory_space<semaphore_mem>>)
    %dma_start3A_16 = arith.constant 0 : i32
    %dma_start3A_17 = arith.constant 0 : i32
    %dma_start3A_18 = arith.constant 0 : i32
    %dma_start3A_19 = tpu.memref_slice %arg11[%dma_start3A_17, %dma_start3A_18] : memref<256x128xf32, #tpu.memory_space<vmem>> -> memref<128x128xf32, #tpu.memory_space<vmem>>
    %dma_start3A_20 = arith.constant 0 : i32
    %dma_start3A_21 = tpu.memref_slice %arg9[%dma_start3A_16, %dma_start3A_20] : memref<4x128xi32, #tpu.memory_space<vmem>> -> memref<1x128xi32, #tpu.memory_space<vmem>>
    %dma_start3A_22 = tpu.memref_squeeze %dma_start3A_21 : memref<1x128xi32, #tpu.memory_space<vmem>> -> memref<128xi32, #tpu.memory_space<vmem>>
    %dma_start3A_23 = arith.constant 0 : i32
    %dma_start3A_24 = arith.constant 0 : i32
    %dma_start3A_25 = tpu.memref_slice %arg5[%dma_start3A_23, %dma_start3A_24] : memref<1000000x128xf32, #tpu.memory_space<hbm>> -> memref<1000000x128xf32, #tpu.memory_space<hbm>>
    tpu.enqueue_indirect_dma source(%dma_start3A_25 : memref<1000000x128xf32, #tpu.memory_space<hbm>>) target(%dma_start3A_19 : memref<128x128xf32, #tpu.memory_space<vmem>>) offsets(%dma_start3A_22 : memref<128xi32, #tpu.memory_space<vmem>>) semaphore(%arg12 : memref<!tpu.dma_semaphore, #tpu.memory_space<semaphore_mem>>)
    %dma_start3A_26 = arith.constant 1 : i32
    %dma_start3A_27 = arith.constant 128 : i32
    %dma_start3A_28 = arith.constant 0 : i32
    %dma_start3A_29 = tpu.memref_slice %arg10[%dma_start3A_27, %dma_start3A_28] : memref<256x128xf32, #tpu.memory_space<vmem>> -> memref<128x128xf32, #tpu.memory_space<vmem>>
    %dma_start3A_30 = arith.constant 0 : i32
    %dma_start3A_31 = tpu.memref_slice %arg8[%dma_start3A_26, %dma_start3A_30] : memref<4x128xi32, #tpu.memory_space<vmem>> -> memref<1x128xi32, #tpu.memory_space<vmem>>
    %dma_start3A_32 = tpu.memref_squeeze %dma_start3A_31 : memref<1x128xi32, #tpu.memory_space<vmem>> -> memref<128xi32, #tpu.memory_space<vmem>>
    %dma_start3A_33 = arith.constant 0 : i32
    %dma_start3A_34 = arith.constant 0 : i32
    %dma_start3A_35 = tpu.memref_slice %arg4[%dma_start3A_33, %dma_start3A_34] : memref<1000000x128xf32, #tpu.memory_space<hbm>> -> memref<1000000x128xf32, #tpu.memory_space<hbm>>
    tpu.enqueue_indirect_dma source(%dma_start3A_35 : memref<1000000x128xf32, #tpu.memory_space<hbm>>) target(%dma_start3A_29 : memref<128x128xf32, #tpu.memory_space<vmem>>) offsets(%dma_start3A_32 : memref<128xi32, #tpu.memory_space<vmem>>) semaphore(%arg12 : memref<!tpu.dma_semaphore, #tpu.memory_space<semaphore_mem>>)
    %dma_start3A_36 = arith.constant 1 : i32
    %dma_start3A_37 = arith.constant 128 : i32
    %dma_start3A_38 = arith.constant 0 : i32
    %dma_start3A_39 = tpu.memref_slice %arg11[%dma_start3A_37, %dma_start3A_38] : memref<256x128xf32, #tpu.memory_space<vmem>> -> memref<128x128xf32, #tpu.memory_space<vmem>>
    %dma_start3A_40 = arith.constant 0 : i32
    %dma_start3A_41 = tpu.memref_slice %arg9[%dma_start3A_36, %dma_start3A_40] : memref<4x128xi32, #tpu.memory_space<vmem>> -> memref<1x128xi32, #tpu.memory_space<vmem>>
    %dma_start3A_42 = tpu.memref_squeeze %dma_start3A_41 : memref<1x128xi32, #tpu.memory_space<vmem>> -> memref<128xi32, #tpu.memory_space<vmem>>
    %dma_start3A_43 = arith.constant 0 : i32
    %dma_start3A_44 = arith.constant 0 : i32
    %dma_start3A_45 = tpu.memref_slice %arg5[%dma_start3A_43, %dma_start3A_44] : memref<1000000x128xf32, #tpu.memory_space<hbm>> -> memref<1000000x128xf32, #tpu.memory_space<hbm>>
    tpu.enqueue_indirect_dma source(%dma_start3A_45 : memref<1000000x128xf32, #tpu.memory_space<hbm>>) target(%dma_start3A_39 : memref<128x128xf32, #tpu.memory_space<vmem>>) offsets(%dma_start3A_42 : memref<128xi32, #tpu.memory_space<vmem>>) semaphore(%arg12 : memref<!tpu.dma_semaphore, #tpu.memory_space<semaphore_mem>>)
    %dma_wait3A = arith.constant 0 : i32
    %dma_wait3A_46 = arith.constant 0 : i32
    %dma_wait3A_47 = arith.constant 0 : i32
    %dma_wait3A_48 = tpu.memref_slice %arg10[%dma_wait3A_46, %dma_wait3A_47] : memref<256x128xf32, #tpu.memory_space<vmem>> -> memref<128x128xf32, #tpu.memory_space<vmem>>
    %dma_wait3A_49 = arith.constant 0 : i32
    %dma_wait3A_50 = tpu.memref_slice %arg8[%dma_wait3A, %dma_wait3A_49] : memref<4x128xi32, #tpu.memory_space<vmem>> -> memref<1x128xi32, #tpu.memory_space<vmem>>
    %dma_wait3A_51 = tpu.memref_squeeze %dma_wait3A_50 : memref<1x128xi32, #tpu.memory_space<vmem>> -> memref<128xi32, #tpu.memory_space<vmem>>
    %dma_wait3A_52 = arith.constant 0 : i32
    %dma_wait3A_53 = arith.constant 0 : i32
    %dma_wait3A_54 = tpu.memref_slice %arg4[%dma_wait3A_52, %dma_wait3A_53] : memref<1000000x128xf32, #tpu.memory_space<hbm>> -> memref<1000000x128xf32, #tpu.memory_space<hbm>>
    tpu.wait_indirect_dma semaphore(%arg12 : memref<!tpu.dma_semaphore, #tpu.memory_space<semaphore_mem>>) src(%dma_wait3A_54 : memref<1000000x128xf32, #tpu.memory_space<hbm>>) dst(%dma_wait3A_48 : memref<128x128xf32, #tpu.memory_space<vmem>>)
    %dma_wait3A_55 = arith.constant 0 : i32
    %dma_wait3A_56 = arith.constant 0 : i32
    %dma_wait3A_57 = arith.constant 0 : i32
    %dma_wait3A_58 = tpu.memref_slice %arg11[%dma_wait3A_56, %dma_wait3A_57] : memref<256x128xf32, #tpu.memory_space<vmem>> -> memref<128x128xf32, #tpu.memory_space<vmem>>
    %dma_wait3A_59 = arith.constant 0 : i32
    %dma_wait3A_60 = tpu.memref_slice %arg9[%dma_wait3A_55, %dma_wait3A_59] : memref<4x128xi32, #tpu.memory_space<vmem>> -> memref<1x128xi32, #tpu.memory_space<vmem>>
    %dma_wait3A_61 = tpu.memref_squeeze %dma_wait3A_60 : memref<1x128xi32, #tpu.memory_space<vmem>> -> memref<128xi32, #tpu.memory_space<vmem>>
    %dma_wait3A_62 = arith.constant 0 : i32
    %dma_wait3A_63 = arith.constant 0 : i32
    %dma_wait3A_64 = tpu.memref_slice %arg5[%dma_wait3A_62, %dma_wait3A_63] : memref<1000000x128xf32, #tpu.memory_space<hbm>> -> memref<1000000x128xf32, #tpu.memory_space<hbm>>
    tpu.wait_indirect_dma semaphore(%arg12 : memref<!tpu.dma_semaphore, #tpu.memory_space<semaphore_mem>>) src(%dma_wait3A_64 : memref<1000000x128xf32, #tpu.memory_space<hbm>>) dst(%dma_wait3A_58 : memref<128x128xf32, #tpu.memory_space<vmem>>)
    %dma_wait3A_65 = arith.constant 1 : i32
    %dma_wait3A_66 = arith.constant 128 : i32
    %dma_wait3A_67 = arith.constant 0 : i32
    %dma_wait3A_68 = tpu.memref_slice %arg10[%dma_wait3A_66, %dma_wait3A_67] : memref<256x128xf32, #tpu.memory_space<vmem>> -> memref<128x128xf32, #tpu.memory_space<vmem>>
    %dma_wait3A_69 = arith.constant 0 : i32
    %dma_wait3A_70 = tpu.memref_slice %arg8[%dma_wait3A_65, %dma_wait3A_69] : memref<4x128xi32, #tpu.memory_space<vmem>> -> memref<1x128xi32, #tpu.memory_space<vmem>>
    %dma_wait3A_71 = tpu.memref_squeeze %dma_wait3A_70 : memref<1x128xi32, #tpu.memory_space<vmem>> -> memref<128xi32, #tpu.memory_space<vmem>>
    %dma_wait3A_72 = arith.constant 0 : i32
    %dma_wait3A_73 = arith.constant 0 : i32
    %dma_wait3A_74 = tpu.memref_slice %arg4[%dma_wait3A_72, %dma_wait3A_73] : memref<1000000x128xf32, #tpu.memory_space<hbm>> -> memref<1000000x128xf32, #tpu.memory_space<hbm>>
    tpu.wait_indirect_dma semaphore(%arg12 : memref<!tpu.dma_semaphore, #tpu.memory_space<semaphore_mem>>) src(%dma_wait3A_74 : memref<1000000x128xf32, #tpu.memory_space<hbm>>) dst(%dma_wait3A_68 : memref<128x128xf32, #tpu.memory_space<vmem>>)
    %dma_wait3A_75 = arith.constant 1 : i32
    %dma_wait3A_76 = arith.constant 128 : i32
    %dma_wait3A_77 = arith.constant 0 : i32
    %dma_wait3A_78 = tpu.memref_slice %arg11[%dma_wait3A_76, %dma_wait3A_77] : memref<256x128xf32, #tpu.memory_space<vmem>> -> memref<128x128xf32, #tpu.memory_space<vmem>>
    %dma_wait3A_79 = arith.constant 0 : i32
    %dma_wait3A_80 = tpu.memref_slice %arg9[%dma_wait3A_75, %dma_wait3A_79] : memref<4x128xi32, #tpu.memory_space<vmem>> -> memref<1x128xi32, #tpu.memory_space<vmem>>
    %dma_wait3A_81 = tpu.memref_squeeze %dma_wait3A_80 : memref<1x128xi32, #tpu.memory_space<vmem>> -> memref<128xi32, #tpu.memory_space<vmem>>
    %dma_wait3A_82 = arith.constant 0 : i32
    %dma_wait3A_83 = arith.constant 0 : i32
    %dma_wait3A_84 = tpu.memref_slice %arg5[%dma_wait3A_82, %dma_wait3A_83] : memref<1000000x128xf32, #tpu.memory_space<hbm>> -> memref<1000000x128xf32, #tpu.memory_space<hbm>>
    tpu.wait_indirect_dma semaphore(%arg12 : memref<!tpu.dma_semaphore, #tpu.memory_space<semaphore_mem>>) src(%dma_wait3A_84 : memref<1000000x128xf32, #tpu.memory_space<hbm>>) dst(%dma_wait3A_78 : memref<128x128xf32, #tpu.memory_space<vmem>>)
    %add3A_85 = arith.constant 0 : i32
    %add3A_86 = arith.addi %mul3A_2, %add3A_85 : i32
    "tpu.region"() ({
      %run_scoped3A = tpu.sem_alloc : memref<!tpu.dma_semaphore, #tpu.memory_space<semaphore_mem>>
      %dma_start3A_173 = arith.constant 0 : i32
      %dma_start3A_174 = tpu.memref_slice %arg6[%add3A_86, %dma_start3A_173] : memref<16384x128xf32, #tpu.memory_space<hbm>> -> memref<256x128xf32, #tpu.memory_space<hbm>>
      %dma_start3A_175 = arith.constant 0 : i32
      %dma_start3A_176 = tpu.memref_slice %arg6[%add3A_86, %dma_start3A_175] : memref<16384x128xf32, #tpu.memory_space<hbm>> -> memref<256x128xf32, #tpu.memory_space<hbm>>
      tpu.enqueue_dma source(%arg10 : memref<256x128xf32, #tpu.memory_space<vmem>>) target(%dma_start3A_176 : memref<256x128xf32, #tpu.memory_space<hbm>>) target_semaphore(%run_scoped3A : memref<!tpu.dma_semaphore, #tpu.memory_space<semaphore_mem>>)
      %dma_wait3A_177 = arith.constant 0 : i32
      %dma_wait3A_178 = tpu.memref_slice %arg6[%add3A_86, %dma_wait3A_177] : memref<16384x128xf32, #tpu.memory_space<hbm>> -> memref<256x128xf32, #tpu.memory_space<hbm>>
      %dma_wait3A_179 = arith.constant 0 : i32
      %dma_wait3A_180 = tpu.memref_slice %arg6[%add3A_86, %dma_wait3A_179] : memref<16384x128xf32, #tpu.memory_space<hbm>> -> memref<256x128xf32, #tpu.memory_space<hbm>>
      tpu.wait_dma2 semaphore(%run_scoped3A : memref<!tpu.dma_semaphore, #tpu.memory_space<semaphore_mem>>) src(%arg10 : memref<256x128xf32, #tpu.memory_space<vmem>>) dst(%dma_wait3A_180 : memref<256x128xf32, #tpu.memory_space<hbm>>)
      tpu.yield
    }) : () -> ()
    %add3A_87 = arith.constant 0 : i32
    %add3A_88 = arith.addi %mul3A_2, %add3A_87 : i32
    "tpu.region"() ({
      %run_scoped3A = tpu.sem_alloc : memref<!tpu.dma_semaphore, #tpu.memory_space<semaphore_mem>>
      %dma_start3A_173 = arith.constant 0 : i32
      %dma_start3A_174 = tpu.memref_slice %arg7[%add3A_88, %dma_start3A_173] : memref<16384x128xf32, #tpu.memory_space<hbm>> -> memref<256x128xf32, #tpu.memory_space<hbm>>
      %dma_start3A_175 = arith.constant 0 : i32
      %dma_start3A_176 = tpu.memref_slice %arg7[%add3A_88, %dma_start3A_175] : memref<16384x128xf32, #tpu.memory_space<hbm>> -> memref<256x128xf32, #tpu.memory_space<hbm>>
      tpu.enqueue_dma source(%arg11 : memref<256x128xf32, #tpu.memory_space<vmem>>) target(%dma_start3A_176 : memref<256x128xf32, #tpu.memory_space<hbm>>) target_semaphore(%run_scoped3A : memref<!tpu.dma_semaphore, #tpu.memory_space<semaphore_mem>>)
      %dma_wait3A_177 = arith.constant 0 : i32
      %dma_wait3A_178 = tpu.memref_slice %arg7[%add3A_88, %dma_wait3A_177] : memref<16384x128xf32, #tpu.memory_space<hbm>> -> memref<256x128xf32, #tpu.memory_space<hbm>>
      %dma_wait3A_179 = arith.constant 0 : i32
      %dma_wait3A_180 = tpu.memref_slice %arg7[%add3A_88, %dma_wait3A_179] : memref<16384x128xf32, #tpu.memory_space<hbm>> -> memref<256x128xf32, #tpu.memory_space<hbm>>
      tpu.wait_dma2 semaphore(%run_scoped3A : memref<!tpu.dma_semaphore, #tpu.memory_space<semaphore_mem>>) src(%arg11 : memref<256x128xf32, #tpu.memory_space<vmem>>) dst(%dma_wait3A_180 : memref<256x128xf32, #tpu.memory_space<hbm>>)
      tpu.yield
    }) : () -> ()
    %dma_start3A_89 = arith.constant 2 : i32
    %dma_start3A_90 = arith.constant 0 : i32
    %dma_start3A_91 = arith.constant 0 : i32
    %dma_start3A_92 = tpu.memref_slice %arg10[%dma_start3A_90, %dma_start3A_91] : memref<256x128xf32, #tpu.memory_space<vmem>> -> memref<128x128xf32, #tpu.memory_space<vmem>>
    %dma_start3A_93 = arith.constant 0 : i32
    %dma_start3A_94 = tpu.memref_slice %arg8[%dma_start3A_89, %dma_start3A_93] : memref<4x128xi32, #tpu.memory_space<vmem>> -> memref<1x128xi32, #tpu.memory_space<vmem>>
    %dma_start3A_95 = tpu.memref_squeeze %dma_start3A_94 : memref<1x128xi32, #tpu.memory_space<vmem>> -> memref<128xi32, #tpu.memory_space<vmem>>
    %dma_start3A_96 = arith.constant 0 : i32
    %dma_start3A_97 = arith.constant 0 : i32
    %dma_start3A_98 = tpu.memref_slice %arg4[%dma_start3A_96, %dma_start3A_97] : memref<1000000x128xf32, #tpu.memory_space<hbm>> -> memref<1000000x128xf32, #tpu.memory_space<hbm>>
    tpu.enqueue_indirect_dma source(%dma_start3A_98 : memref<1000000x128xf32, #tpu.memory_space<hbm>>) target(%dma_start3A_92 : memref<128x128xf32, #tpu.memory_space<vmem>>) offsets(%dma_start3A_95 : memref<128xi32, #tpu.memory_space<vmem>>) semaphore(%arg12 : memref<!tpu.dma_semaphore, #tpu.memory_space<semaphore_mem>>)
    %dma_start3A_99 = arith.constant 2 : i32
    %dma_start3A_100 = arith.constant 0 : i32
    %dma_start3A_101 = arith.constant 0 : i32
    %dma_start3A_102 = tpu.memref_slice %arg11[%dma_start3A_100, %dma_start3A_101] : memref<256x128xf32, #tpu.memory_space<vmem>> -> memref<128x128xf32, #tpu.memory_space<vmem>>
    %dma_start3A_103 = arith.constant 0 : i32
    %dma_start3A_104 = tpu.memref_slice %arg9[%dma_start3A_99, %dma_start3A_103] : memref<4x128xi32, #tpu.memory_space<vmem>> -> memref<1x128xi32, #tpu.memory_space<vmem>>
    %dma_start3A_105 = tpu.memref_squeeze %dma_start3A_104 : memref<1x128xi32, #tpu.memory_space<vmem>> -> memref<128xi32, #tpu.memory_space<vmem>>
    %dma_start3A_106 = arith.constant 0 : i32
    %dma_start3A_107 = arith.constant 0 : i32
    %dma_start3A_108 = tpu.memref_slice %arg5[%dma_start3A_106, %dma_start3A_107] : memref<1000000x128xf32, #tpu.memory_space<hbm>> -> memref<1000000x128xf32, #tpu.memory_space<hbm>>
    tpu.enqueue_indirect_dma source(%dma_start3A_108 : memref<1000000x128xf32, #tpu.memory_space<hbm>>) target(%dma_start3A_102 : memref<128x128xf32, #tpu.memory_space<vmem>>) offsets(%dma_start3A_105 : memref<128xi32, #tpu.memory_space<vmem>>) semaphore(%arg12 : memref<!tpu.dma_semaphore, #tpu.memory_space<semaphore_mem>>)
    %dma_start3A_109 = arith.constant 3 : i32
    %dma_start3A_110 = arith.constant 128 : i32
    %dma_start3A_111 = arith.constant 0 : i32
    %dma_start3A_112 = tpu.memref_slice %arg10[%dma_start3A_110, %dma_start3A_111] : memref<256x128xf32, #tpu.memory_space<vmem>> -> memref<128x128xf32, #tpu.memory_space<vmem>>
    %dma_start3A_113 = arith.constant 0 : i32
    %dma_start3A_114 = tpu.memref_slice %arg8[%dma_start3A_109, %dma_start3A_113] : memref<4x128xi32, #tpu.memory_space<vmem>> -> memref<1x128xi32, #tpu.memory_space<vmem>>
    %dma_start3A_115 = tpu.memref_squeeze %dma_start3A_114 : memref<1x128xi32, #tpu.memory_space<vmem>> -> memref<128xi32, #tpu.memory_space<vmem>>
    %dma_start3A_116 = arith.constant 0 : i32
    %dma_start3A_117 = arith.constant 0 : i32
    %dma_start3A_118 = tpu.memref_slice %arg4[%dma_start3A_116, %dma_start3A_117] : memref<1000000x128xf32, #tpu.memory_space<hbm>> -> memref<1000000x128xf32, #tpu.memory_space<hbm>>
    tpu.enqueue_indirect_dma source(%dma_start3A_118 : memref<1000000x128xf32, #tpu.memory_space<hbm>>) target(%dma_start3A_112 : memref<128x128xf32, #tpu.memory_space<vmem>>) offsets(%dma_start3A_115 : memref<128xi32, #tpu.memory_space<vmem>>) semaphore(%arg12 : memref<!tpu.dma_semaphore, #tpu.memory_space<semaphore_mem>>)
    %dma_start3A_119 = arith.constant 3 : i32
    %dma_start3A_120 = arith.constant 128 : i32
    %dma_start3A_121 = arith.constant 0 : i32
    %dma_start3A_122 = tpu.memref_slice %arg11[%dma_start3A_120, %dma_start3A_121] : memref<256x128xf32, #tpu.memory_space<vmem>> -> memref<128x128xf32, #tpu.memory_space<vmem>>
    %dma_start3A_123 = arith.constant 0 : i32
    %dma_start3A_124 = tpu.memref_slice %arg9[%dma_start3A_119, %dma_start3A_123] : memref<4x128xi32, #tpu.memory_space<vmem>> -> memref<1x128xi32, #tpu.memory_space<vmem>>
    %dma_start3A_125 = tpu.memref_squeeze %dma_start3A_124 : memref<1x128xi32, #tpu.memory_space<vmem>> -> memref<128xi32, #tpu.memory_space<vmem>>
    %dma_start3A_126 = arith.constant 0 : i32
    %dma_start3A_127 = arith.constant 0 : i32
    %dma_start3A_128 = tpu.memref_slice %arg5[%dma_start3A_126, %dma_start3A_127] : memref<1000000x128xf32, #tpu.memory_space<hbm>> -> memref<1000000x128xf32, #tpu.memory_space<hbm>>
    tpu.enqueue_indirect_dma source(%dma_start3A_128 : memref<1000000x128xf32, #tpu.memory_space<hbm>>) target(%dma_start3A_122 : memref<128x128xf32, #tpu.memory_space<vmem>>) offsets(%dma_start3A_125 : memref<128xi32, #tpu.memory_space<vmem>>) semaphore(%arg12 : memref<!tpu.dma_semaphore, #tpu.memory_space<semaphore_mem>>)
    %dma_wait3A_129 = arith.constant 2 : i32
    %dma_wait3A_130 = arith.constant 0 : i32
    %dma_wait3A_131 = arith.constant 0 : i32
    %dma_wait3A_132 = tpu.memref_slice %arg10[%dma_wait3A_130, %dma_wait3A_131] : memref<256x128xf32, #tpu.memory_space<vmem>> -> memref<128x128xf32, #tpu.memory_space<vmem>>
    %dma_wait3A_133 = arith.constant 0 : i32
    %dma_wait3A_134 = tpu.memref_slice %arg8[%dma_wait3A_129, %dma_wait3A_133] : memref<4x128xi32, #tpu.memory_space<vmem>> -> memref<1x128xi32, #tpu.memory_space<vmem>>
    %dma_wait3A_135 = tpu.memref_squeeze %dma_wait3A_134 : memref<1x128xi32, #tpu.memory_space<vmem>> -> memref<128xi32, #tpu.memory_space<vmem>>
    %dma_wait3A_136 = arith.constant 0 : i32
    %dma_wait3A_137 = arith.constant 0 : i32
    %dma_wait3A_138 = tpu.memref_slice %arg4[%dma_wait3A_136, %dma_wait3A_137] : memref<1000000x128xf32, #tpu.memory_space<hbm>> -> memref<1000000x128xf32, #tpu.memory_space<hbm>>
    tpu.wait_indirect_dma semaphore(%arg12 : memref<!tpu.dma_semaphore, #tpu.memory_space<semaphore_mem>>) src(%dma_wait3A_138 : memref<1000000x128xf32, #tpu.memory_space<hbm>>) dst(%dma_wait3A_132 : memref<128x128xf32, #tpu.memory_space<vmem>>)
    %dma_wait3A_139 = arith.constant 2 : i32
    %dma_wait3A_140 = arith.constant 0 : i32
    %dma_wait3A_141 = arith.constant 0 : i32
    %dma_wait3A_142 = tpu.memref_slice %arg11[%dma_wait3A_140, %dma_wait3A_141] : memref<256x128xf32, #tpu.memory_space<vmem>> -> memref<128x128xf32, #tpu.memory_space<vmem>>
    %dma_wait3A_143 = arith.constant 0 : i32
    %dma_wait3A_144 = tpu.memref_slice %arg9[%dma_wait3A_139, %dma_wait3A_143] : memref<4x128xi32, #tpu.memory_space<vmem>> -> memref<1x128xi32, #tpu.memory_space<vmem>>
    %dma_wait3A_145 = tpu.memref_squeeze %dma_wait3A_144 : memref<1x128xi32, #tpu.memory_space<vmem>> -> memref<128xi32, #tpu.memory_space<vmem>>
    %dma_wait3A_146 = arith.constant 0 : i32
    %dma_wait3A_147 = arith.constant 0 : i32
    %dma_wait3A_148 = tpu.memref_slice %arg5[%dma_wait3A_146, %dma_wait3A_147] : memref<1000000x128xf32, #tpu.memory_space<hbm>> -> memref<1000000x128xf32, #tpu.memory_space<hbm>>
    tpu.wait_indirect_dma semaphore(%arg12 : memref<!tpu.dma_semaphore, #tpu.memory_space<semaphore_mem>>) src(%dma_wait3A_148 : memref<1000000x128xf32, #tpu.memory_space<hbm>>) dst(%dma_wait3A_142 : memref<128x128xf32, #tpu.memory_space<vmem>>)
    %dma_wait3A_149 = arith.constant 3 : i32
    %dma_wait3A_150 = arith.constant 128 : i32
    %dma_wait3A_151 = arith.constant 0 : i32
    %dma_wait3A_152 = tpu.memref_slice %arg10[%dma_wait3A_150, %dma_wait3A_151] : memref<256x128xf32, #tpu.memory_space<vmem>> -> memref<128x128xf32, #tpu.memory_space<vmem>>
    %dma_wait3A_153 = arith.constant 0 : i32
    %dma_wait3A_154 = tpu.memref_slice %arg8[%dma_wait3A_149, %dma_wait3A_153] : memref<4x128xi32, #tpu.memory_space<vmem>> -> memref<1x128xi32, #tpu.memory_space<vmem>>
    %dma_wait3A_155 = tpu.memref_squeeze %dma_wait3A_154 : memref<1x128xi32, #tpu.memory_space<vmem>> -> memref<128xi32, #tpu.memory_space<vmem>>
    %dma_wait3A_156 = arith.constant 0 : i32
    %dma_wait3A_157 = arith.constant 0 : i32
    %dma_wait3A_158 = tpu.memref_slice %arg4[%dma_wait3A_156, %dma_wait3A_157] : memref<1000000x128xf32, #tpu.memory_space<hbm>> -> memref<1000000x128xf32, #tpu.memory_space<hbm>>
    tpu.wait_indirect_dma semaphore(%arg12 : memref<!tpu.dma_semaphore, #tpu.memory_space<semaphore_mem>>) src(%dma_wait3A_158 : memref<1000000x128xf32, #tpu.memory_space<hbm>>) dst(%dma_wait3A_152 : memref<128x128xf32, #tpu.memory_space<vmem>>)
    %dma_wait3A_159 = arith.constant 3 : i32
    %dma_wait3A_160 = arith.constant 128 : i32
    %dma_wait3A_161 = arith.constant 0 : i32
    %dma_wait3A_162 = tpu.memref_slice %arg11[%dma_wait3A_160, %dma_wait3A_161] : memref<256x128xf32, #tpu.memory_space<vmem>> -> memref<128x128xf32, #tpu.memory_space<vmem>>
    %dma_wait3A_163 = arith.constant 0 : i32
    %dma_wait3A_164 = tpu.memref_slice %arg9[%dma_wait3A_159, %dma_wait3A_163] : memref<4x128xi32, #tpu.memory_space<vmem>> -> memref<1x128xi32, #tpu.memory_space<vmem>>
    %dma_wait3A_165 = tpu.memref_squeeze %dma_wait3A_164 : memref<1x128xi32, #tpu.memory_space<vmem>> -> memref<128xi32, #tpu.memory_space<vmem>>
    %dma_wait3A_166 = arith.constant 0 : i32
    %dma_wait3A_167 = arith.constant 0 : i32
    %dma_wait3A_168 = tpu.memref_slice %arg5[%dma_wait3A_166, %dma_wait3A_167] : memref<1000000x128xf32, #tpu.memory_space<hbm>> -> memref<1000000x128xf32, #tpu.memory_space<hbm>>
    tpu.wait_indirect_dma semaphore(%arg12 : memref<!tpu.dma_semaphore, #tpu.memory_space<semaphore_mem>>) src(%dma_wait3A_168 : memref<1000000x128xf32, #tpu.memory_space<hbm>>) dst(%dma_wait3A_162 : memref<128x128xf32, #tpu.memory_space<vmem>>)
    %add3A_169 = arith.constant 256 : i32
    %add3A_170 = arith.addi %mul3A_2, %add3A_169 : i32
    "tpu.region"() ({
      %run_scoped3A = tpu.sem_alloc : memref<!tpu.dma_semaphore, #tpu.memory_space<semaphore_mem>>
      %dma_start3A_173 = arith.constant 0 : i32
      %dma_start3A_174 = tpu.memref_slice %arg6[%add3A_170, %dma_start3A_173] : memref<16384x128xf32, #tpu.memory_space<hbm>> -> memref<256x128xf32, #tpu.memory_space<hbm>>
      %dma_start3A_175 = arith.constant 0 : i32
      %dma_start3A_176 = tpu.memref_slice %arg6[%add3A_170, %dma_start3A_175] : memref<16384x128xf32, #tpu.memory_space<hbm>> -> memref<256x128xf32, #tpu.memory_space<hbm>>
      tpu.enqueue_dma source(%arg10 : memref<256x128xf32, #tpu.memory_space<vmem>>) target(%dma_start3A_176 : memref<256x128xf32, #tpu.memory_space<hbm>>) target_semaphore(%run_scoped3A : memref<!tpu.dma_semaphore, #tpu.memory_space<semaphore_mem>>)
      %dma_wait3A_177 = arith.constant 0 : i32
      %dma_wait3A_178 = tpu.memref_slice %arg6[%add3A_170, %dma_wait3A_177] : memref<16384x128xf32, #tpu.memory_space<hbm>> -> memref<256x128xf32, #tpu.memory_space<hbm>>
      %dma_wait3A_179 = arith.constant 0 : i32
      %dma_wait3A_180 = tpu.memref_slice %arg6[%add3A_170, %dma_wait3A_179] : memref<16384x128xf32, #tpu.memory_space<hbm>> -> memref<256x128xf32, #tpu.memory_space<hbm>>
      tpu.wait_dma2 semaphore(%run_scoped3A : memref<!tpu.dma_semaphore, #tpu.memory_space<semaphore_mem>>) src(%arg10 : memref<256x128xf32, #tpu.memory_space<vmem>>) dst(%dma_wait3A_180 : memref<256x128xf32, #tpu.memory_space<hbm>>)
      tpu.yield
    }) : () -> ()
    %add3A_171 = arith.constant 256 : i32
    %add3A_172 = arith.addi %mul3A_2, %add3A_171 : i32
    "tpu.region"() ({
      %run_scoped3A = tpu.sem_alloc : memref<!tpu.dma_semaphore, #tpu.memory_space<semaphore_mem>>
      %dma_start3A_173 = arith.constant 0 : i32
      %dma_start3A_174 = tpu.memref_slice %arg7[%add3A_172, %dma_start3A_173] : memref<16384x128xf32, #tpu.memory_space<hbm>> -> memref<256x128xf32, #tpu.memory_space<hbm>>
      %dma_start3A_175 = arith.constant 0 : i32
      %dma_start3A_176 = tpu.memref_slice %arg7[%add3A_172, %dma_start3A_175] : memref<16384x128xf32, #tpu.memory_space<hbm>> -> memref<256x128xf32, #tpu.memory_space<hbm>>
      tpu.enqueue_dma source(%arg11 : memref<256x128xf32, #tpu.memory_space<vmem>>) target(%dma_start3A_176 : memref<256x128xf32, #tpu.memory_space<hbm>>) target_semaphore(%run_scoped3A : memref<!tpu.dma_semaphore, #tpu.memory_space<semaphore_mem>>)
      %dma_wait3A_177 = arith.constant 0 : i32
      %dma_wait3A_178 = tpu.memref_slice %arg7[%add3A_172, %dma_wait3A_177] : memref<16384x128xf32, #tpu.memory_space<hbm>> -> memref<256x128xf32, #tpu.memory_space<hbm>>
      %dma_wait3A_179 = arith.constant 0 : i32
      %dma_wait3A_180 = tpu.memref_slice %arg7[%add3A_172, %dma_wait3A_179] : memref<16384x128xf32, #tpu.memory_space<hbm>> -> memref<256x128xf32, #tpu.memory_space<hbm>>
      tpu.wait_dma2 semaphore(%run_scoped3A : memref<!tpu.dma_semaphore, #tpu.memory_space<semaphore_mem>>) src(%arg11 : memref<256x128xf32, #tpu.memory_space<vmem>>) dst(%dma_wait3A_180 : memref<256x128xf32, #tpu.memory_space<hbm>>)
      tpu.yield
    }) : () -> ()
    return
  }
}

module attributes {stable_mosaic.version = 14 : i64} {
  func.func @_tc_body(%arg0: i32, %arg1: memref<2048x128xf32, #tpu.memory_space<vmem>>, %arg2: memref<2048x128xf32, #tpu.memory_space<vmem>>, %arg3: memref<2048x13xf32, #tpu.memory_space<vmem>>, %arg4: memref<13x32xf32, #tpu.memory_space<vmem>>, %arg5: memref<1x32xf32, #tpu.memory_space<vmem>>, %arg6: memref<32x256xf32, #tpu.memory_space<vmem>>, %arg7: memref<32x256xf32, #tpu.memory_space<vmem>>, %arg8: memref<13x256xf32, #tpu.memory_space<vmem>>, %arg9: memref<1x256xf32, #tpu.memory_space<vmem>>, %arg10: memref<256x128xf32, #tpu.memory_space<vmem>>, %arg11: memref<1x128xf32, #tpu.memory_space<vmem>>, %arg12: memref<128x1xf32, #tpu.memory_space<vmem>>, %arg13: memref<1x1xf32, #tpu.memory_space<vmem>>, %arg14: memref<2048x1xf32, #tpu.memory_space<vmem>>) attributes {dimension_semantics = [#tpu.dimension_semantics<arbitrary>], iteration_bounds = array<i64: 8>, scalar_prefetch = 0 : i64, scratch_operands = 0 : i64, tpu.core_type = #tpu.core_type<tc>, window_params = [{transform_indices = @transform_0, window_bounds = array<i64: 2048, 128>}, {transform_indices = @transform_1, window_bounds = array<i64: 2048, 128>}, {transform_indices = @transform_2, window_bounds = array<i64: 2048, 13>}, {pipeline_mode = #tpu.pipeline_mode<synchronous>, transform_indices = @transform_3, window_bounds = array<i64: 13, 32>}, {pipeline_mode = #tpu.pipeline_mode<synchronous>, transform_indices = @transform_4, window_bounds = array<i64: 1, 32>}, {pipeline_mode = #tpu.pipeline_mode<synchronous>, transform_indices = @transform_5, window_bounds = array<i64: 32, 256>}, {pipeline_mode = #tpu.pipeline_mode<synchronous>, transform_indices = @transform_6, window_bounds = array<i64: 32, 256>}, {pipeline_mode = #tpu.pipeline_mode<synchronous>, transform_indices = @transform_7, window_bounds = array<i64: 13, 256>}, {pipeline_mode = #tpu.pipeline_mode<synchronous>, transform_indices = @transform_8, window_bounds = array<i64: 1, 256>}, {pipeline_mode = #tpu.pipeline_mode<synchronous>, transform_indices = @transform_9, window_bounds = array<i64: 256, 128>}, {pipeline_mode = #tpu.pipeline_mode<synchronous>, transform_indices = @transform_10, window_bounds = array<i64: 1, 128>}, {pipeline_mode = #tpu.pipeline_mode<synchronous>, transform_indices = @transform_11, window_bounds = array<i64: 128, 1>}, {pipeline_mode = #tpu.pipeline_mode<synchronous>, transform_indices = @transform_12, window_bounds = array<i64: 1, 1>}, {transform_indices = @transform_13, window_bounds = array<i64: 2048, 1>}]} {
    %get3A = arith.constant 0 : index
    %get3A_0 = arith.constant 0 : index
    %get3A_1 = vector.load %arg1[%get3A, %get3A_0] : memref<2048x128xf32, #tpu.memory_space<vmem>>, vector<2048x32xf32>
    %get3A_2 = arith.constant 0 : index
    %get3A_3 = arith.constant 0 : index
    %get3A_4 = vector.load %arg2[%get3A_2, %get3A_3] : memref<2048x128xf32, #tpu.memory_space<vmem>>, vector<2048x32xf32>
    %get3A_5 = arith.constant 0 : index
    %get3A_6 = arith.constant 0 : index
    %get3A_7 = vector.load %arg3[%get3A_5, %get3A_6] : memref<2048x13xf32, #tpu.memory_space<vmem>>, vector<2048x13xf32>
    %get3A_8 = arith.constant 0 : index
    %get3A_9 = arith.constant 0 : index
    %get3A_10 = vector.load %arg4[%get3A_8, %get3A_9] : memref<13x32xf32, #tpu.memory_space<vmem>>, vector<13x32xf32>
    %dot_general3A = arith.constant dense<0.000000e+00> : vector<2048x32xf32>
    %dot_general3A_11 = tpu.matmul %get3A_7, %get3A_10, %dot_general3A {dimension_numbers = #tpu.dot_dimension_numbers<[1], [0], [0], [1], [0, 0, 1, 1], [], []>, transpose_lhs_hint = false} : vector<2048x13xf32>, vector<13x32xf32>, vector<2048x32xf32> -> vector<2048x32xf32>
    %get3A_12 = arith.constant 0 : index
    %get3A_13 = arith.constant 0 : index
    %get3A_14 = vector.load %arg5[%get3A_12, %get3A_13] : memref<1x32xf32, #tpu.memory_space<vmem>>, vector<1x32xf32>
    %add3A = vector.broadcast %get3A_14 : vector<1x32xf32> to vector<2048x32xf32>
    %add3A_15 = arith.addf %dot_general3A_11, %add3A : vector<2048x32xf32>
    %add3A_16 = arith.addf %get3A_1, %get3A_4 : vector<2048x32xf32>
    %add3A_17 = arith.addf %add3A_16, %add3A_15 : vector<2048x32xf32>
    %mul3A = arith.mulf %add3A_17, %add3A_17 : vector<2048x32xf32>
    %mul3A_18 = arith.mulf %get3A_1, %get3A_1 : vector<2048x32xf32>
    %sub3A = arith.subf %mul3A, %mul3A_18 : vector<2048x32xf32>
    %mul3A_19 = arith.mulf %get3A_4, %get3A_4 : vector<2048x32xf32>
    %sub3A_20 = arith.subf %sub3A, %mul3A_19 : vector<2048x32xf32>
    %mul3A_21 = arith.mulf %add3A_15, %add3A_15 : vector<2048x32xf32>
    %sub3A_22 = arith.subf %sub3A_20, %mul3A_21 : vector<2048x32xf32>
    %reduce_sum3A = arith.constant dense<0.000000e+00> : vector<2048xf32>
    %reduce_sum3A_23 = vector.multi_reduction <add>, %sub3A_22, %reduce_sum3A [1] : vector<2048x32xf32> to vector<2048xf32>
    %broadcast_in_dim3A = vector.shape_cast %reduce_sum3A_23 : vector<2048xf32> to vector<2048x1xf32>
    %mul3A_24 = arith.constant 5.000000e-01 : f32
    %mul3A_25 = vector.broadcast %mul3A_24 : f32 to vector<2048x1xf32>
    %mul3A_26 = arith.mulf %mul3A_25, %broadcast_in_dim3A : vector<2048x1xf32>
    %get3A_27 = arith.constant 0 : index
    %get3A_28 = arith.constant 0 : index
    %get3A_29 = vector.load %arg6[%get3A_27, %get3A_28] : memref<32x256xf32, #tpu.memory_space<vmem>>, vector<32x256xf32>
    %dot_general3A_30 = arith.constant dense<0.000000e+00> : vector<2048x256xf32>
    %dot_general3A_31 = tpu.matmul %get3A_1, %get3A_29, %dot_general3A_30 {dimension_numbers = #tpu.dot_dimension_numbers<[1], [0], [0], [1], [0, 0, 1, 1], [], []>, transpose_lhs_hint = false} : vector<2048x32xf32>, vector<32x256xf32>, vector<2048x256xf32> -> vector<2048x256xf32>
    %get3A_32 = arith.constant 0 : index
    %get3A_33 = arith.constant 0 : index
    %get3A_34 = vector.load %arg7[%get3A_32, %get3A_33] : memref<32x256xf32, #tpu.memory_space<vmem>>, vector<32x256xf32>
    %dot_general3A_35 = arith.constant dense<0.000000e+00> : vector<2048x256xf32>
    %dot_general3A_36 = tpu.matmul %get3A_4, %get3A_34, %dot_general3A_35 {dimension_numbers = #tpu.dot_dimension_numbers<[1], [0], [0], [1], [0, 0, 1, 1], [], []>, transpose_lhs_hint = false} : vector<2048x32xf32>, vector<32x256xf32>, vector<2048x256xf32> -> vector<2048x256xf32>
    %add3A_37 = arith.addf %dot_general3A_31, %dot_general3A_36 : vector<2048x256xf32>
    %get3A_38 = arith.constant 0 : index
    %get3A_39 = arith.constant 0 : index
    %get3A_40 = vector.load %arg8[%get3A_38, %get3A_39] : memref<13x256xf32, #tpu.memory_space<vmem>>, vector<13x256xf32>
    %dot_general3A_41 = arith.constant dense<0.000000e+00> : vector<2048x256xf32>
    %dot_general3A_42 = tpu.matmul %get3A_7, %get3A_40, %dot_general3A_41 {dimension_numbers = #tpu.dot_dimension_numbers<[1], [0], [0], [1], [0, 0, 1, 1], [], []>, transpose_lhs_hint = false} : vector<2048x13xf32>, vector<13x256xf32>, vector<2048x256xf32> -> vector<2048x256xf32>
    %add3A_43 = arith.addf %add3A_37, %dot_general3A_42 : vector<2048x256xf32>
    %get3A_44 = arith.constant 0 : index
    %get3A_45 = arith.constant 0 : index
    %get3A_46 = vector.load %arg9[%get3A_44, %get3A_45] : memref<1x256xf32, #tpu.memory_space<vmem>>, vector<1x256xf32>
    %add3A_47 = vector.broadcast %get3A_46 : vector<1x256xf32> to vector<2048x256xf32>
    %add3A_48 = arith.addf %add3A_43, %add3A_47 : vector<2048x256xf32>
    %max3A = arith.constant 0.000000e+00 : f32
    %max3A_49 = vector.broadcast %max3A : f32 to vector<2048x256xf32>
    %max3A_50 = arith.maximumf %add3A_48, %max3A_49 : vector<2048x256xf32>
    %get3A_51 = arith.constant 0 : index
    %get3A_52 = arith.constant 0 : index
    %get3A_53 = vector.load %arg10[%get3A_51, %get3A_52] : memref<256x128xf32, #tpu.memory_space<vmem>>, vector<256x128xf32>
    %dot_general3A_54 = arith.constant dense<0.000000e+00> : vector<2048x128xf32>
    %dot_general3A_55 = tpu.matmul %max3A_50, %get3A_53, %dot_general3A_54 {dimension_numbers = #tpu.dot_dimension_numbers<[1], [0], [0], [1], [0, 0, 1, 1], [], []>, transpose_lhs_hint = false} : vector<2048x256xf32>, vector<256x128xf32>, vector<2048x128xf32> -> vector<2048x128xf32>
    %get3A_56 = arith.constant 0 : index
    %get3A_57 = arith.constant 0 : index
    %get3A_58 = vector.load %arg11[%get3A_56, %get3A_57] : memref<1x128xf32, #tpu.memory_space<vmem>>, vector<1x128xf32>
    %add3A_59 = vector.broadcast %get3A_58 : vector<1x128xf32> to vector<2048x128xf32>
    %add3A_60 = arith.addf %dot_general3A_55, %add3A_59 : vector<2048x128xf32>
    %max3A_61 = arith.constant 0.000000e+00 : f32
    %max3A_62 = vector.broadcast %max3A_61 : f32 to vector<2048x128xf32>
    %max3A_63 = arith.maximumf %add3A_60, %max3A_62 : vector<2048x128xf32>
    %get3A_64 = arith.constant 0 : index
    %get3A_65 = arith.constant 0 : index
    %get3A_66 = vector.load %arg12[%get3A_64, %get3A_65] : memref<128x1xf32, #tpu.memory_space<vmem>>, vector<128x1xf32>
    %dot_general3A_67 = arith.constant dense<0.000000e+00> : vector<2048x1xf32>
    %dot_general3A_68 = tpu.matmul %max3A_63, %get3A_66, %dot_general3A_67 {dimension_numbers = #tpu.dot_dimension_numbers<[1], [0], [0], [1], [0, 0, 1, 1], [], []>, transpose_lhs_hint = false} : vector<2048x128xf32>, vector<128x1xf32>, vector<2048x1xf32> -> vector<2048x1xf32>
    %get3A_69 = arith.constant 0 : index
    %get3A_70 = arith.constant 0 : index
    %get3A_71 = vector.load %arg13[%get3A_69, %get3A_70] : memref<1x1xf32, #tpu.memory_space<vmem>>, vector<1x1xf32>
    %add3A_72 = vector.broadcast %get3A_71 : vector<1x1xf32> to vector<2048x1xf32>
    %add3A_73 = arith.addf %dot_general3A_68, %add3A_72 : vector<2048x1xf32>
    %add3A_74 = arith.addf %add3A_73, %mul3A_26 : vector<2048x1xf32>
    %swap3A = arith.constant 0 : index
    %swap3A_75 = arith.constant 0 : index
    %swap3A_76 = vector.load %arg14[%swap3A, %swap3A_75] : memref<2048x1xf32, #tpu.memory_space<vmem>>, vector<2048x1xf32>
    tpu.vector_store %arg14[%swap3A, %swap3A_75], %add3A_74 {strides = array<i32>} : memref<2048x1xf32, #tpu.memory_space<vmem>>, vector<2048x1xf32>,
    return
  }
  func.func @transform_0(%arg0: i32) -> (i32, i32) {
    %c0_i32 = arith.constant 0 : i32
    %c0_i32_0 = arith.constant 0 : i32
    return %arg0, %c0_i32 : i32, i32
  }
  func.func @transform_1(%arg0: i32) -> (i32, i32) {
    %c0_i32 = arith.constant 0 : i32
    %c0_i32_0 = arith.constant 0 : i32
    return %arg0, %c0_i32 : i32, i32
  }
  func.func @transform_2(%arg0: i32) -> (i32, i32) {
    %c0_i32 = arith.constant 0 : i32
    %c0_i32_0 = arith.constant 0 : i32
    return %arg0, %c0_i32 : i32, i32
  }
  func.func @transform_3(%arg0: i32) -> (i32, i32) {
    %c0_i32 = arith.constant 0 : i32
    %c0_i32_0 = arith.constant 0 : i32
    %c0_i32_1 = arith.constant 0 : i32
    return %c0_i32, %c0_i32_0 : i32, i32
  }
  func.func @transform_4(%arg0: i32) -> (i32, i32) {
    %c0_i32 = arith.constant 0 : i32
    %c0_i32_0 = arith.constant 0 : i32
    %c0_i32_1 = arith.constant 0 : i32
    return %c0_i32, %c0_i32_0 : i32, i32
  }
  func.func @transform_5(%arg0: i32) -> (i32, i32) {
    %c0_i32 = arith.constant 0 : i32
    %c0_i32_0 = arith.constant 0 : i32
    %c0_i32_1 = arith.constant 0 : i32
    return %c0_i32, %c0_i32_0 : i32, i32
  }
  func.func @transform_6(%arg0: i32) -> (i32, i32) {
    %c0_i32 = arith.constant 0 : i32
    %c0_i32_0 = arith.constant 0 : i32
    %c0_i32_1 = arith.constant 0 : i32
    return %c0_i32, %c0_i32_0 : i32, i32
  }
  func.func @transform_7(%arg0: i32) -> (i32, i32) {
    %c0_i32 = arith.constant 0 : i32
    %c0_i32_0 = arith.constant 0 : i32
    %c0_i32_1 = arith.constant 0 : i32
    return %c0_i32, %c0_i32_0 : i32, i32
  }
  func.func @transform_8(%arg0: i32) -> (i32, i32) {
    %c0_i32 = arith.constant 0 : i32
    %c0_i32_0 = arith.constant 0 : i32
    %c0_i32_1 = arith.constant 0 : i32
    return %c0_i32, %c0_i32_0 : i32, i32
  }
  func.func @transform_9(%arg0: i32) -> (i32, i32) {
    %c0_i32 = arith.constant 0 : i32
    %c0_i32_0 = arith.constant 0 : i32
    %c0_i32_1 = arith.constant 0 : i32
    return %c0_i32, %c0_i32_0 : i32, i32
  }
  func.func @transform_10(%arg0: i32) -> (i32, i32) {
    %c0_i32 = arith.constant 0 : i32
    %c0_i32_0 = arith.constant 0 : i32
    %c0_i32_1 = arith.constant 0 : i32
    return %c0_i32, %c0_i32_0 : i32, i32
  }
  func.func @transform_11(%arg0: i32) -> (i32, i32) {
    %c0_i32 = arith.constant 0 : i32
    %c0_i32_0 = arith.constant 0 : i32
    %c0_i32_1 = arith.constant 0 : i32
    return %c0_i32, %c0_i32_0 : i32, i32
  }
  func.func @transform_12(%arg0: i32) -> (i32, i32) {
    %c0_i32 = arith.constant 0 : i32
    %c0_i32_0 = arith.constant 0 : i32
    %c0_i32_1 = arith.constant 0 : i32
    return %c0_i32, %c0_i32_0 : i32, i32
  }
  func.func @transform_13(%arg0: i32) -> (i32, i32) {
    %c0_i32 = arith.constant 0 : i32
    %c0_i32_0 = arith.constant 0 : i32
    return %arg0, %c0_i32 : i32, i32
  }
}

</mosaic_0001>

<sc_bundles>
// kernel: kernel.4.cloned.1.call-start
scs
__scs_entry_jumppad:
0x0: {  	(pc) =	sbr.rel $0x88, $3  }
0x1: {  	(tag) =	ssettag $0x0;
	lr =	simm.s32 $0x1  }
0x2: {  	[smem:$0x3F94] =	sst lr;
	_ =	strace $0xD0000000  }
0x3: {  	_ = 	snop  }
0x4: {  	_ = 	snop  }
0x5: {  	_ = 	snop  }
0x6: {  	_ = 	snop  }
0x7: {  	_ = 	snop  }
__scs_overlays_trampoline_lowered:
0x8: {  	[smem:$0x3FA3] =	sst s0  }
0x9: {  	[smem:$0x3FA4] =	sst s1  }
0xa: {  	[smem:$0x3FA5] =	sst s2  }
0xb: {  	[smem:$0x3FA6] =	sst s3  }
0xc: {  	[smem:$0x3FA7] =	sst s4  }
0xd: {  	[smem:$0x3FA8] =	sst s5  }
0xe: {  	[smem:$0x3FA9] =	sst s6  }
0xf: {  	[smem:$0x3FAA] =	sst s7  }
0x10: {  	[smem:$0x3FAB] =	sst s8  }
0x11: {  	[smem:$0x3FAC] =	sst s9;
	s0 =	simm.s32 @!p0 $0x0  }
0x12: {  	s1 =	sld [smem:$0x3F92];
	s0 =	simm.s32 @p0 $0x1  }
0x13: {  	[smem:$0x3FAD] =	sst s0;
	s0 =	simm.s32 @!p1 $0x0  }
0x14: {  	s2 =	sld [smem:$0x3F91];
	s0 =	simm.s32 @p1 $0x1  }
0x15: {  	[smem:$0x3FAE] =	sst s0;
	s0 =	simm.s32 @!p2 $0x0  }
0x16: {  	s3 =	sld [smem:$0x3FDB];
	s0 =	simm.s32 @p2 $0x1  }
0x17: {  	s4 =	simm.s32 $0x1BF5;
	[smem:$0x3FB0] =	sst s0  }
0x18: {  	s0 =	sld [smem:$0x3F93];
	_ =	swait.ge [sflag:s4], $0x0  }
0x19: {  	s7 =	sld [smem:$0x3F94]  }
0x1a: {  	s8 =	sadd.s32 $0xFFFFE003, lr  }
0x1b: {  	s9 =	sadd.s32 $0xFFFFFEF7, lr;
	s5 =	simm.s32 $0xFFFFFFFF;
	p2 =	slt.u32 s8, $0xFFFFF086  }
0x1c: {  	p1 =	slt.u32 s9, $0xF7A;
	s5 =	simm.s32 @!p2 $0x0  }
0x1d: {  	s5 =	simm.s32 @p1 $0x1;
	p0 =	seq.s32 s7, s2  }
0x1e: {  	s7 =	smul.u32 @!p0 $0xF7A, s2;
	p2 =	seq.s32 @!p0 s5, $0x0  }
0x1f: {  	s9 =	smul.u32 $0xF7A, s1;
	s8 =	simm.s32 @!p0 $0x1BF5;
	p2 =	por !p2, p0  }
0x20: {  	[sflag:s8] =	ssyncset.s32 @!p0 $0xFFFFF086;
	s6 =	sadd.s32 @!p0 s3, s7;
	s7 =	simm.s32 @!p0 $0x108  }
0x21: {  	s3 =	sadd.s32 s3, s9;
	s6 =	sadd.s32 @!p0 $0x88, s6;
	s7 =	simm.s32 @p2 $0x1082  }
0x22: {  	[simem:s7], [sflag:s8] =	dma.local @!p0 [hbm:s6], $0xF7A  }
0x23: {  	s9 =	sor.u32 $0xD0000000, s2;
	s6 =	simm.s32 $0x108;
	_ =	swait.ge @!p0 [sflag:s8], $0x0  }
0x24: {  	s3 =	sadd.s32 $0x88, s3;
	s6 =	simm.s32 @!p1 $0x1082;
	[sflag:s4] =	ssyncset.s32 $0xFFFFF086  }
0x25: {  	[simem:s6], [sflag:s4] =	dma.local [hbm:s3], $0xF7A  }
0x26: {  	[smem:$0x3F94] =	sst s1;
	(tag) =	ssettag s2;
	_ =	strace s9  }
0x27: {  	s1 =	sld [smem:$0x3FA4]  }
0x28: {  	s2 =	sld [smem:$0x3FA5]  }
0x29: {  	s4 =	sld [smem:$0x3FA7]  }
0x2a: {  	p0 =	seq.s32 s5, $0x0;
	s5 =	sld [smem:$0x3FA8]  }
0x2b: {  	s6 =	sld [smem:$0x3FA9]  }
0x2c: {  	s7 =	sld [smem:$0x3FAA]  }
0x2d: {  	s3 =	simm.s32 $0x108;
	s8 =	sld [smem:$0x3FAB]  }
0x2e: {  	s3 =	simm.s32 @!p0 $0x1082;
	s9 =	sld [smem:$0x3FAC]  }
0x2f: {  	lr =	sadd.s32 s0, s3;
	s0 =	sld [smem:$0x3FA3]  }
0x30: {  	s3 =	sld [smem:$0x3FA6]  }
0x31: {  	[smem:$0x3FAF] =	sst s10  }
0x32: {  	s10 =	sld [smem:$0x3FAD];
	_ =	sdelay $0x3  }
0x33: {  	p0 =	seq.s32 s10, $0x1;
	s10 =	sld [smem:$0x3FAF];
	_ =	sdelay $0x3  }
0x34: {  	[smem:$0x3FAF] =	sst s10  }
0x35: {  	s10 =	sld [smem:$0x3FAE];
	_ =	sdelay $0x3  }
0x36: {  	p1 =	seq.s32 s10, $0x1;
	s10 =	sld [smem:$0x3FAF];
	_ =	sdelay $0x3  }
0x37: {  	[smem:$0x3FAF] =	sst s10  }
0x38: {  	s10 =	sld [smem:$0x3FB0]  }
0x39: {  	_ = 	snop;
	(pc) =	sbr.ind lr, $3  }
0x3a: {  	_ = 	snop  }
0x3b: {  	_ = 	snop  }
0x3c: {  	p2 =	seq.s32 s10, $0x1;
	s10 =	sld [smem:$0x3FAF]  }
0x3d: {  	_ =	shalt  }
0x3e: {  	_ =	shalt  }
0x3f: {  	_ =	shalt  }
0x40: {  	_ =	shalt  }
0x41: {  	_ =	shalt  }
0x42: {  	_ =	shalt  }
0x43: {  	_ =	shalt  }
0x44: {  	_ =	shalt  }
0x45: {  	_ =	shalt  }
0x46: {  	_ =	shalt  }
0x47: {  	_ =	shalt  }
0x48: {  	_ =	shalt  }
0x49: {  	_ =	shalt  }
0x4a: {  	_ =	shalt  }
0x4b: {  	_ =	shalt  }
0x4c: {  	_ =	shalt  }
0x4d: {  	_ =	shalt  }
0x4e: {  	_ =	shalt  }
0x4f: {  	_ =	shalt  }
0x50: {  	_ =	shalt  }
0x51: {  	_ =	shalt  }
0x52: {  	_ =	shalt  }
0x53: {  	_ =	shalt  }
0x54: {  	_ =	shalt  }
0x55: {  	_ =	shalt  }
0x56: {  	_ =	shalt  }
0x57: {  	_ =	shalt  }
0x58: {  	_ =	shalt  }
0x59: {  	_ =	shalt  }
0x5a: {  	_ =	shalt  }
0x5b: {  	_ =	shalt  }
0x5c: {  	_ =	shalt  }
0x5d: {  	_ =	shalt  }
0x5e: {  	_ =	shalt  }
0x5f: {  	_ =	shalt  }
0x60: {  	_ =	shalt  }
0x61: {  	_ =	shalt  }
0x62: {  	_ =	shalt  }
0x63: {  	_ =	shalt  }
0x64: {  	_ =	shalt  }
0x65: {  	_ =	shalt  }
0x66: {  	_ =	shalt  }
0x67: {  	_ =	shalt  }
0x68: {  	_ =	shalt  }
0x69: {  	_ =	shalt  }
0x6a: {  	_ =	shalt  }
0x6b: {  	_ =	shalt  }
0x6c: {  	_ =	shalt  }
0x6d: {  	_ =	shalt  }
0x6e: {  	_ =	shalt  }
0x6f: {  	_ =	shalt  }
0x70: {  	_ =	shalt  }
0x71: {  	_ =	shalt  }
0x72: {  	_ =	shalt  }
0x73: {  	_ =	shalt  }
0x74: {  	_ =	shalt  }
0x75: {  	_ =	shalt  }
0x76: {  	_ =	shalt  }
0x77: {  	_ =	shalt  }
0x78: {  	_ =	shalt  }
0x79: {  	_ =	shalt  }
0x7a: {  	_ =	shalt  }
0x7b: {  	_ =	shalt  }
0x7c: {  	_ =	shalt  }
0x7d: {  	_ =	shalt  }
0x7e: {  	_ =	shalt  }
0x7f: {  	_ =	shalt  }
0x80: {  	_ =	shalt  }
0x81: {  	_ =	shalt  }
0x82: {  	_ =	shalt  }
0x83: {  	_ =	shalt  }
0x84: {  	_ =	shalt  }
0x85: {  	_ =	shalt  }
0x86: {  	_ =	shalt  }
0x87: {  	_ =	shalt  }
.Lfunc_end0:
.L_simem_size_0:
called_computation_lowered:
.L_overlay_start_0:
0x88: {  	s2 =	sld [smem:$0x3FD9]  }
0x89: {  	s3 =	sld [smem:$0x3FFE];
	_ =	sdelay $0x1  }
0x8a: {  	s1 =	srdreg.scid  }
0x8b: {  	s0 =	sand.u32 $0x1, s1  }
0x8c: {  	s17 =	sshll.u32 s0, $0xA;
	s2 =	sadd.s32 s3, s2  }
0x8d: {  	s2 =	sadd.s32 s2, s17  }
0x8e: {  	[smem:$0x3FBB] =	sst s2  }
0x8f: {  	_ = 	snop  }
0x90: {  	s2 =	sld [smem:$0x3FC9]  }
0x91: {  	s18 =	sld [smem:$0x3FC8];
	(tm) =	ssettm $0x1  }
0x92: {  	s4 =	sld [smem:$0x3FFB];
	_ =	sdelay $0x3  }
0x93: {  	_ =	strace s4  }
0x94: {  	s4 =	sld [smem:$0x3FFC];
	_ =	sdelay $0x3  }
0x95: {  	_ =	strace s4  }
0x96: {  	s4 =	sld [smem:$0x3FFD];
	_ =	sdelay $0x3  }
0x97: {  	_ =	strace s4  }
0x98: {  	_ =	strace $0x8FFFFFFF  }
0x99: {  	s19 =	sld [smem:$0x3FDB];
	_ =	sdelay $0x1  }
0x9a: {  	s5 =	simm.s32 $_scs_section_size  }
0x9b: {  	s6 =	simm.s32 $_size__tile_overlayer_lowered;
	s7 =	simm.s32 $_tile_overlayer_lowered  }
0x9c: {  	s22 =	simm.s32 $0x1BFF;
	s21 =	sshll.u32 s7, $0x1;
	s4 =	sadd.s32 s5, s19  }
0x9d: {  	s8 =	simm.s32 $0x0;
	s20 =	sshll.u32 s6, $0x1;
	s6 =	sadd.s32 s21, s4  }
0x9e: {  	[timem:s8], [sflag:s22] =	dma.local [hbm:s6], s20  }
0x9f: {  	_ =	swait.ge [sflag:s22], s20  }
0xa0: {  	s5 =	ssub.s32 $0x0, s20;
	[sflag:s22] =	ssyncset.done $0x0  }
0xa1: {  	[sflag:s22] =	ssyncadd.s32 s5;
	_ =	sdelay $0x1  }
0xa2: {  	s23 =	simm.s32 $0x1B8B  }
0xa3: {  	_ =	swait.ge [sflag:s23], $0x1  }
0xa4: {  	[sflag:s23] =	ssyncset.done $0x0  }
0xa5: {  	s25 =	simm.s32 $0x1B8E;
	s24 =	sld [smem:$0x3FFE];
	[sflag:s23] =	ssyncadd.s32 $0xFFFFFFFF  }
0xa6: {  	s26 =	simm.s32 $execute0_lowered;
	[smem:$0x3FD2] =	sst s25  }
0xa7: {  	s6 =	sshll.u32 s26, $0x1;
	_ =	strace $0x80000046;
	[dreg:$0x1] =	wrdreg $0xFFFFFFFF  }
0xa8: {  	s28 =	simm.s32 $_size_execute0_lowered;
	s4 =	sadd.s32 s4, s6;
	[dreg:$0x0] =	wrdreg $0x0  }
0xa9: {  	s6 =	sshll.u32 s28, $0x1;
	[dreg:$0x2] =	wrdreg s4  }
0xaa: {  	[dreg:$0x3] =	wrdreg s6  }
0xab: {  	[dreg:$0x4] =	wrdreg $0xC0  }
0xac: {  	_ =	task [dreg:s8], $0x5FFFF  }
0xad: {  	[dreg:$0x1] =	wrdreg $0xFFFFFFFF  }
0xae: {  	[dreg:$0x0] =	wrdreg $0x60  }
0xaf: {  	[dreg:$0x2] =	wrdreg s2  }
0xb0: {  	[dreg:$0x3] =	wrdreg s18  }
0xb1: {  	[dreg:$0x4] =	wrdreg s24  }
0xb2: {  	[dreg:$0x5] =	wrdreg $0x9  }
0xb3: {  	_ =	task.clear_ibuf [dreg:s8], $0x6FFFF;
	_ =	strace $0x90000046  }
0xb4: {  	s29 =	simm.s32 $0x9;
	_ =	strace $0x80000048  }
0xb5: {  	_ =	swait.ge [sflag:s29], $0x1  }
0xb6: {  	[sflag:s29] =	ssyncadd.s32 $0xFFFFFFFF  }
0xb7: {  	_ =	strace $0x90000048  }
0xb8: {  	_ =	sfence  }
0xb9: {  	s30 =	sld [smem:$0x0];
	_ =	sdelay $0x2  }
0xba: {  	s31 =	sshll.u32 s1, $0xD;
	s1 =	sshrl.u32 s1, $0x2  }
0xbb: {  	s3 =	sand.u32 $0x4000, s31;
	s1 =	sadd.s32 s1, s30  }
0xbc: {  	s0 =	sor.u32 s3, s0;
	s1 =	sshll.u32 s1, $0x11  }
0xbd: {  	s0 =	sor.u32 s1, s0  }
0xbe: {  	s0 =	sadd.s32 $0x8F2B, s0  }
0xbf: {  	[sflag:s0] =	ssyncadd.remote.s32 $0x1  }
0xc0: {  	_ =	sfence.sel $0xFFFF  }
0xc1: {  	[dreg:$0x0] =	wrdreg $0xFFFFFFFF;
	(pc) =	sbr.abs _section_cstart, $3  }
0xc2: {  	[dreg:$0x1] =	wrdreg $0xFFFFFFFF  }
0xc3: {  	_ =	task.clear_ibuf [dreg:s8], $0x2FFFF;
	_ =	strace $0x9FFFFFFF  }
0xc4: {  	(tm) =	ssettm $0x7FFFFFFF  }
0xc5: {  	_ =	shalt  }
tec
execute0_lowered:
.L_overlay_start_1:
0x0: {  	(tag) =	ssettag $0x1  }
0x1: {  	s3 =	rddreg [dreg:$0x0]  }
0x2: {  	s5 =	rddreg [dreg:$0x1]  }
0x3: {  	s17 =	rddreg [dreg:$0x2];
	s2 =	srdreg.scid  }
0x4: {  	s0 =	rddreg [dreg:$0x3];
	s1 =	stileid.u32;
	s22 =	sand.u32 $0x1, s2  }
0x5: {  	s2 =	simm.s32 $0x0;
	s4 =	sshll.u32 s1, $0x7;
	s6 =	sshll.u32 s22, $0x6  }
0x6: {  	[smem:$0x7FF] =	sst s2;
	s6 =	sor.u32 s6, s4  }
0x7: {  	_ =	strace $0x80000047;
	s4 =	sadd.s32 s3, s6;
	s3 =	simm.s32 $0x2  }
0x8: {  	[tilespmem:s2], [sflag:$0x2] =	stream.linear.gather [hbm4b:s4+s2], $0x200, $0x38;
	[tilespmem:$0x10400] =	vst v63  }
0x9: {  	_ =	swait.ge [sflag:s3], $0x200  }
0xa: {  	[sflag:s3] =	ssyncset.done $0x0  }
0xb: {  	s5 =	sadd.s32 s5, s6;
	s6 =	simm.s32 $0x200;
	[sflag:s3] =	ssyncadd.s32 $0xFFFFFE00  }
0xc: {  	[tilespmem:s6], [sflag:$0x2] =	stream.linear.gather [hbm4b:s5+s2], $0x200, $0x38;
	[tilespmem:$0x10400] =	vst v63  }
0xd: {  	_ =	swait.ge [sflag:s3], $0x200  }
0xe: {  	s8 =	simm.s32 $0x80;
	[sflag:s3] =	ssyncset.done $0x0  }
0xf: {  	s9 =	simm.s32 $0x400;
	s7 =	sadd.s32 $0x1E86000, s17;
	[sflag:s3] =	ssyncadd.s32 $0xFFFFFE00  }
0x10: {  	[tilespmem:s9], [sflag:$0x1] =	stream.indirect.gather [hbm4b:s7+s8], $0x80, s2, s8, $0xb8;
	[tilespmem:$0x10400] =	vst v63  }
0x11: {  	s11 =	simm.s32 $0x8400;
	s10 =	sadd.s32 $0x1800, s17  }
0x12: {  	[tilespmem:s11], [sflag:$0x1] =	stream.indirect.gather [hbm4b:s10+s8], $0x80, s6, s8, $0xb8;
	[tilespmem:$0x10400] =	vst v63  }
0x13: {  	s12 =	simm.s32 $0x4400  }
0x14: {  	[tilespmem:s12], [sflag:$0x1] =	stream.indirect.gather [hbm4b:s7+s8], $0x80, s8, s8, $0xb8;
	[tilespmem:$0x10400] =	vst v63  }
0x15: {  	s13 =	simm.s32 $0x280;
	s14 =	simm.s32 $0xC400;
	s15 =	simm.s32 $0x1  }
0x16: {  	[tilespmem:s14], [sflag:$0x1] =	stream.indirect.gather [hbm4b:s10+s8], $0x80, s13, s8, $0xb8;
	[tilespmem:$0x10400] =	vst v63  }
0x17: {  	_ =	swait.ge [sflag:s15], $0x4000  }
0x18: {  	[sflag:s15] =	ssyncset.done $0x0  }
0x19: {  	[sflag:s15] =	ssyncadd.s32 $0xFFFFC000  }
0x1a: {  	_ =	swait.ge [sflag:s15], $0x4000  }
0x1b: {  	[sflag:s15] =	ssyncset.done $0x0  }
0x1c: {  	[sflag:s15] =	ssyncadd.s32 $0xFFFFC000  }
0x1d: {  	_ =	swait.ge [sflag:s15], $0x4000  }
0x1e: {  	[sflag:s15] =	ssyncset.done $0x0  }
0x1f: {  	[sflag:s15] =	ssyncadd.s32 $0xFFFFC000  }
0x20: {  	s16 =	sshll.u32 s1, $0xE;
	s18 =	sshll.u32 s22, $0xD;
	_ =	swait.ge [sflag:s15], $0x4000  }
0x21: {  	s23 =	sadd.s32 $0xF43C00, s17;
	s24 =	sor.u32 s18, s16;
	[sflag:s15] =	ssyncset.done $0x0  }
0x22: {  	s16 =	sadd.s32 s23, s24;
	[sflag:s15] =	ssyncadd.s32 $0xFFFFC000  }
0x23: {  	[hbm4b:s16+s2] =	stream.linear.scatter [tilespmem:s9], [sflag:$0x2], $0x8000, $0x38;
	[tilespmem:$0x10400] =	vst v63  }
0x24: {  	_ =	swait.ge [sflag:s3], $0x8000  }
0x25: {  	s25 =	sadd.s32 $0xF83C00, s17;
	[sflag:s3] =	ssyncset.done $0x0  }
0x26: {  	s17 =	sadd.s32 s25, s24;
	[sflag:s3] =	ssyncadd.s32 $0xFFFF8000  }
0x27: {  	[hbm4b:s17+s2] =	stream.linear.scatter [tilespmem:s11], [sflag:$0x2], $0x8000, $0x38;
	[tilespmem:$0x10400] =	vst v63  }
0x28: {  	_ =	swait.ge [sflag:s3], $0x8000  }
0x29: {  	[sflag:s3] =	ssyncset.done $0x0  }
0x2a: {  	s18 =	simm.s32 $0x100;
	[sflag:s3] =	ssyncadd.s32 $0xFFFF8000  }
0x2b: {  	[tilespmem:s9], [sflag:$0x1] =	stream.indirect.gather [hbm4b:s7+s8], $0x80, s18, s8, $0xb8;
	[tilespmem:$0x10400] =	vst v63  }
0x2c: {  	s19 =	simm.s32 $0x300  }
0x2d: {  	[tilespmem:s11], [sflag:$0x1] =	stream.indirect.gather [hbm4b:s10+s8], $0x80, s19, s8, $0xb8;
	[tilespmem:$0x10400] =	vst v63  }
0x2e: {  	s20 =	simm.s32 $0x180  }
0x2f: {  	[tilespmem:s12], [sflag:$0x1] =	stream.indirect.gather [hbm4b:s7+s8], $0x80, s20, s8, $0xb8;
	[tilespmem:$0x10400] =	vst v63  }
0x30: {  	s21 =	simm.s32 $0x380  }
0x31: {  	[tilespmem:s14], [sflag:$0x1] =	stream.indirect.gather [hbm4b:s10+s8], $0x80, s21, s8, $0xb8;
	[tilespmem:$0x10400] =	vst v63  }
0x32: {  	_ =	swait.ge [sflag:s15], $0x4000  }
0x33: {  	[sflag:s15] =	ssyncset.done $0x0  }
0x34: {  	[sflag:s15] =	ssyncadd.s32 $0xFFFFC000  }
0x35: {  	_ =	swait.ge [sflag:s15], $0x4000  }
0x36: {  	[sflag:s15] =	ssyncset.done $0x0  }
0x37: {  	[sflag:s15] =	ssyncadd.s32 $0xFFFFC000  }
0x38: {  	_ =	swait.ge [sflag:s15], $0x4000  }
0x39: {  	[sflag:s15] =	ssyncset.done $0x0  }
0x3a: {  	s26 =	ssub.s32 $0x2, s22;
	[sflag:s15] =	ssyncadd.s32 $0xFFFFC000  }
0x3b: {  	s30 =	sshrl.u32 s26, $0x1;
	_ =	swait.ge [sflag:s15], $0x4000  }
0x3c: {  	s24 =	sor.u32 $0x1000, s24;
	s26 =	ssub.s32 s26, s30;
	[sflag:s15] =	ssyncset.done $0x0  }
0x3d: {  	s22 =	sadd.s32 s23, s24;
	s31 =	smax.u32 s26, $0x1;
	[sflag:s15] =	ssyncadd.s32 $0xFFFFC000  }
0x3e: {  	[hbm4b:s22+s2] =	stream.linear.scatter [tilespmem:s9], [sflag:$0x2], $0x8000, $0x38;
	[tilespmem:$0x10400] =	vst v63  }
0x3f: {  	p0 =	sne.s32 s31, $0x1;
	_ =	swait.ge [sflag:s3], $0x8000  }
.Ltmp0:
0x40: {  	[sflag:s3] =	ssyncset.done $0x0;
	(pc) =	sbr.rel @!p0 .LBB2_2-.Ltmp0, $4  }
0x41: {  	s23 =	sadd.s32 s25, s24;
	[sflag:s3] =	ssyncadd.s32 $0xFFFF8000  }
0x42: {  	[hbm4b:s23+s2] =	stream.linear.scatter [tilespmem:s11], [sflag:$0x2], $0x8000, $0x38;
	[tilespmem:$0x10400] =	vst v63  }
0x43: {  	_ =	swait.ge [sflag:s3], $0x8000  }
0x44: {  	s24 =	sadd.s32 $0xFFFFFFFF, s31;
	[sflag:s3] =	ssyncset.done $0x0  }
.LBB2_1:
0x45: {  	p0 =	sne.s32 s24, $0x1;
	s24 =	sadd.s32 $0xFFFFFFFF, s24;
	[sflag:s3] =	ssyncadd.s32 $0xFFFF8000  }
0x46: {  	[tilespmem:s2], [sflag:$0x2] =	stream.linear.gather [hbm4b:s4+s2], $0x200, $0x38;
	[tilespmem:$0x10400] =	vst v63  }
0x47: {  	_ =	swait.ge [sflag:s3], $0x200  }
0x48: {  	[sflag:s3] =	ssyncset.done $0x0  }
0x49: {  	[sflag:s3] =	ssyncadd.s32 $0xFFFFFE00  }
0x4a: {  	[tilespmem:s6], [sflag:$0x2] =	stream.linear.gather [hbm4b:s5+s2], $0x200, $0x38;
	[tilespmem:$0x10400] =	vst v63  }
0x4b: {  	_ =	swait.ge [sflag:s3], $0x200  }
0x4c: {  	[sflag:s3] =	ssyncset.done $0x0  }
0x4d: {  	[sflag:s3] =	ssyncadd.s32 $0xFFFFFE00  }
0x4e: {  	[tilespmem:s9], [sflag:$0x1] =	stream.indirect.gather [hbm4b:s7+s8], $0x80, s2, s8, $0xb8;
	[tilespmem:$0x10400] =	vst v63  }
0x4f: {  	_ = 	snop  }
0x50: {  	[tilespmem:s11], [sflag:$0x1] =	stream.indirect.gather [hbm4b:s10+s8], $0x80, s6, s8, $0xb8;
	[tilespmem:$0x10400] =	vst v63  }
0x51: {  	_ = 	snop  }
0x52: {  	[tilespmem:s12], [sflag:$0x1] =	stream.indirect.gather [hbm4b:s7+s8], $0x80, s8, s8, $0xb8;
	[tilespmem:$0x10400] =	vst v63  }
0x53: {  	_ = 	snop  }
0x54: {  	[tilespmem:s14], [sflag:$0x1] =	stream.indirect.gather [hbm4b:s10+s8], $0x80, s13, s8, $0xb8;
	[tilespmem:$0x10400] =	vst v63  }
0x55: {  	_ =	swait.ge [sflag:s15], $0x4000  }
0x56: {  	[sflag:s15] =	ssyncset.done $0x0  }
0x57: {  	[sflag:s15] =	ssyncadd.s32 $0xFFFFC000  }
0x58: {  	_ =	swait.ge [sflag:s15], $0x4000  }
0x59: {  	[sflag:s15] =	ssyncset.done $0x0  }
0x5a: {  	[sflag:s15] =	ssyncadd.s32 $0xFFFFC000  }
0x5b: {  	_ =	swait.ge [sflag:s15], $0x4000  }
0x5c: {  	[sflag:s15] =	ssyncset.done $0x0  }
0x5d: {  	[sflag:s15] =	ssyncadd.s32 $0xFFFFC000  }
0x5e: {  	_ =	swait.ge [sflag:s15], $0x4000  }
0x5f: {  	[sflag:s15] =	ssyncset.done $0x0  }
0x60: {  	[sflag:s15] =	ssyncadd.s32 $0xFFFFC000  }
0x61: {  	[hbm4b:s16+s2] =	stream.linear.scatter [tilespmem:s9], [sflag:$0x2], $0x8000, $0x38;
	[tilespmem:$0x10400] =	vst v63  }
0x62: {  	_ =	swait.ge [sflag:s3], $0x8000  }
0x63: {  	[sflag:s3] =	ssyncset.done $0x0  }
0x64: {  	[sflag:s3] =	ssyncadd.s32 $0xFFFF8000  }
0x65: {  	[hbm4b:s17+s2] =	stream.linear.scatter [tilespmem:s11], [sflag:$0x2], $0x8000, $0x38;
	[tilespmem:$0x10400] =	vst v63  }
0x66: {  	_ =	swait.ge [sflag:s3], $0x8000  }
0x67: {  	[sflag:s3] =	ssyncset.done $0x0  }
0x68: {  	[sflag:s3] =	ssyncadd.s32 $0xFFFF8000  }
0x69: {  	[tilespmem:s9], [sflag:$0x1] =	stream.indirect.gather [hbm4b:s7+s8], $0x80, s18, s8, $0xb8;
	[tilespmem:$0x10400] =	vst v63  }
0x6a: {  	_ = 	snop  }
0x6b: {  	[tilespmem:s11], [sflag:$0x1] =	stream.indirect.gather [hbm4b:s10+s8], $0x80, s19, s8, $0xb8;
	[tilespmem:$0x10400] =	vst v63  }
0x6c: {  	_ = 	snop  }
0x6d: {  	[tilespmem:s12], [sflag:$0x1] =	stream.indirect.gather [hbm4b:s7+s8], $0x80, s20, s8, $0xb8;
	[tilespmem:$0x10400] =	vst v63  }
0x6e: {  	_ = 	snop  }
0x6f: {  	[tilespmem:s14], [sflag:$0x1] =	stream.indirect.gather [hbm4b:s10+s8], $0x80, s21, s8, $0xb8;
	[tilespmem:$0x10400] =	vst v63  }
0x70: {  	_ =	swait.ge [sflag:s15], $0x4000  }
0x71: {  	[sflag:s15] =	ssyncset.done $0x0  }
0x72: {  	[sflag:s15] =	ssyncadd.s32 $0xFFFFC000  }
0x73: {  	_ =	swait.ge [sflag:s15], $0x4000  }
0x74: {  	[sflag:s15] =	ssyncset.done $0x0  }
0x75: {  	[sflag:s15] =	ssyncadd.s32 $0xFFFFC000  }
0x76: {  	_ =	swait.ge [sflag:s15], $0x4000  }
0x77: {  	[sflag:s15] =	ssyncset.done $0x0  }
0x78: {  	[sflag:s15] =	ssyncadd.s32 $0xFFFFC000  }
0x79: {  	_ =	swait.ge [sflag:s15], $0x4000  }
0x7a: {  	[sflag:s15] =	ssyncset.done $0x0  }
0x7b: {  	[sflag:s15] =	ssyncadd.s32 $0xFFFFC000  }
0x7c: {  	[hbm4b:s22+s2] =	stream.linear.scatter [tilespmem:s9], [sflag:$0x2], $0x8000, $0x38;
	[tilespmem:$0x10400] =	vst v63  }
0x7d: {  	_ =	swait.ge [sflag:s3], $0x8000  }
.Ltmp1:
0x7e: {  	[sflag:s3] =	ssyncset.done $0x0;
	(pc) =	sbr.rel @p0 .LBB2_1-.Ltmp1, $4  }
0x7f: {  	[sflag:s3] =	ssyncadd.s32 $0xFFFF8000  }
0x80: {  	[hbm4b:s23+s2] =	stream.linear.scatter [tilespmem:s11], [sflag:$0x2], $0x8000, $0x38;
	[tilespmem:$0x10400] =	vst v63  }
0x81: {  	_ =	swait.ge [sflag:s3], $0x8000  }
0x82: {  	[sflag:s3] =	ssyncset.done $0x0  }
.LBB2_2:
0x83: {  	[sflag:s3] =	ssyncadd.s32 $0xFFFF8000  }
0x84: {  	_ =	sfence.sel $0x180000  }
0x85: {  	[bflag:$0x0] =	sbarrier.arrive $0xFFFF  }
0x86: {  	p0 =	sne.s32 s1, $0x0;
	_ =	strace $0x90000047  }
0x87: {  	s0 =	sadd.s32 @!p0 $0x100000, s0;
	[bflag:$0x2] =	sbarrier.arrive $0xFFFF  }
0x88: {  	[sflag:s0] =	ssyncadd.tile.s32 @!p0 $0x1;
	_ =	shalt  }
.Lfunc_end2:
_tile_overlayer_lowered:
.L_overlay_start_2:
0x89: {  	(tag) =	ssettag $0x2  }
0x8a: {  	s0 =	rddreg [dreg:$0x0];
	s2 =	stileid.u32  }
0x8b: {  	s1 =	rddreg [dreg:$0x1];
	p0 =	sne.s32 s2, $0x0  }
0x8c: {  	s3 =	rddreg [dreg:$0x2];
	[bflag:$0x3] =	sbarrier.arrive $0xFFFF;
	s2 =	simm.s32 @!p0 $0x1C02  }
0x8d: {  	[timem:s3], [sflag:s2] =	dma.local @!p0 [hbm:s0], s1  }
0x8e: {  	s0 =	simm.s32 @!p0 $0x2  }
0x8f: {  	_ =	swait.ge @!p0 [sflag:s0], s1  }
0x90: {  	s1 =	ssub.s32 @!p0 $0x0, s1;
	[sflag:s0] =	ssyncset.done @!p0 $0x0  }
0x91: {  	[sflag:s0] =	ssyncadd.s32 @!p0 s1  }
0x92: {  	[bflag:$0x3] =	sbarrier.arrive $0xFFFF  }
0x93: {  	_ =	shalt  }

</sc_bundles>
